<compile_context>
chip_gen: v7x
topology: tpu7x:2x2x1
jax: 0.10.2.dev20260603
libtpu: 0.0.44.dev20260713+nightly
codegen_flags: <defaults>
</compile_context>

<pallas_src>
import functools

import jax
import jax.numpy as jnp
from jax import lax
from jax.experimental import pallas as pl
from jax.experimental.pallas import tpu as pltpu
from jax.experimental.pallas import tpu_sc as plsc

_NC = 2
_NS = 16
_NW = _NC * _NS
_L = 16


def _sigmoid_softplus(x):
    ex = jnp.exp(-jnp.abs(x))
    inv = 1.0 / (1.0 + ex)
    sig = jnp.where(x >= 0, inv, ex * inv)
    sp = jnp.maximum(x, 0.0) + jnp.log(1.0 + ex)
    return sig, sp


def kernel(data, p_a, q_a, edge_index, edge_label, weight):
    n = p_a.shape[0]
    nn = n * n
    e_total = edge_index.shape[1]
    r_rows = e_total // 128
    rows_w = r_rows // _NW

    e_w = e_total // _NW

    ei0 = edge_index[0]
    ei1 = edge_index[1]
    lab2d = edge_label.reshape(r_rows, 128)
    w2d = weight.reshape(1, 2)

    mesh = plsc.VectorSubcoreMesh(core_axis_name="c", subcore_axis_name="s")

    blk = 256
    grid = n // blk

    ch_r, ch_c = 8, 1024
    n_ch = (blk // ch_r) * (n // ch_c)
    cpr = n // ch_c

    def c1_body(p_ref, q_ref, apq_ref, aqq_ref, plin_ref, qlin_ref):
        i = pl.program_id(0)
        plin_ref[...] = p_ref[...].reshape(blk * n)
        qlin_ref[...] = q_ref[...].reshape(blk * n)

        def chunk(c, carry):
            a_pq, a_qq = carry
            r0 = (c // cpr) * ch_r
            c0 = (c % cpr) * ch_c
            p = p_ref[pl.ds(r0, ch_r), pl.ds(c0, ch_c)]
            q = q_ref[pl.ds(r0, ch_r), pl.ds(c0, ch_c)]
            qc = jnp.clip(q, -60.0, 60.0)
            eq = jnp.exp(-qc)
            d = 1.0 + eq
            sig = 1.0 / d
            lgq = jnp.log(d)
            a_qq = a_qq + (qc * sig - qc - lgq)
            pc = jnp.clip(p, -60.0, 60.0)
            lgp = jnp.log(1.0 + jnp.exp(-pc))
            a_pq = a_pq + (p * sig - pc - lgp)
            return a_pq, a_qq

        z = jnp.zeros((ch_r, ch_c), jnp.float32)
        a_pq, a_qq = lax.fori_loop(0, n_ch, chunk, (z, z))
        apq_ref[0] = a_pq
        aqq_ref[0] = a_qq

    part_pq, part_qq, p_flat, q_flat = pl.pallas_call(
        c1_body,
        grid=(grid,),
        in_specs=[
            pl.BlockSpec((blk, n), lambda i: (i, 0)),
            pl.BlockSpec((blk, n), lambda i: (i, 0)),
        ],
        out_specs=[
            pl.BlockSpec((1, ch_r, ch_c), lambda i: (i, 0, 0)),
            pl.BlockSpec((1, ch_r, ch_c), lambda i: (i, 0, 0)),
            pl.BlockSpec((blk * n,), lambda i: (i,)),
            pl.BlockSpec((blk * n,), lambda i: (i,)),
        ],
        out_shape=[
            jax.ShapeDtypeStruct((grid, ch_r, ch_c), jnp.float32),
            jax.ShapeDtypeStruct((grid, ch_r, ch_c), jnp.float32),
            jax.ShapeDtypeStruct((nn,), jnp.float32),
            jax.ShapeDtypeStruct((nn,), jnp.float32),
        ],
    )(p_a, q_a)

    @functools.partial(
        pl.kernel,
        out_type=(
            jax.ShapeDtypeStruct((nn,), jnp.int32),
            jax.ShapeDtypeStruct((e_total,), jnp.int32),
            jax.ShapeDtypeStruct((e_total,), jnp.float32),
            jax.ShapeDtypeStruct((e_total,), jnp.float32),
        ),
        mesh=mesh,
        scratch_types=(
            pltpu.VMEM((e_w,), jnp.int32),
            pltpu.VMEM((e_w,), jnp.int32),
            pltpu.VMEM((e_w,), jnp.int32),
            pltpu.VMEM((e_w,), jnp.int32),
            pltpu.VMEM((e_w,), jnp.float32),
            pltpu.VMEM((e_w,), jnp.float32),
            pltpu.SemaphoreType.DMA,
            pltpu.SemaphoreType.DMA,
        ),
    )
    def sc_a(ei0_hbm, ei1_hbm, p_hbm, q_hbm,
             winner_hbm, idxo_hbm, pgo_hbm, qgo_hbm,
             ei0_v, ei1_v, idx_v, eid_v, pg_v, qg_v, sem_s, sem_g):
        wid = lax.axis_index("s") * _NC + lax.axis_index("c")
        base = wid * e_w
        pltpu.sync_copy(ei0_hbm.at[pl.ds(base, e_w)], ei0_v)
        pltpu.sync_copy(ei1_hbm.at[pl.ds(base, e_w)], ei1_v)

        def cbody(c, _):
            s = pl.ds(c * _L, _L)
            idx_v[s] = ei0_v[s] * n + ei1_v[s]
            eid_v[s] = base + c * _L + lax.iota(jnp.int32, _L)
            return 0
        lax.fori_loop(0, e_w // _L, cbody, 0)
        pltpu.sync_copy(idx_v, idxo_hbm.at[pl.ds(base, e_w)])

        cs = pltpu.async_copy(eid_v, winner_hbm.at[idx_v], sem_s)
        cp = pltpu.async_copy(p_hbm.at[idx_v], pg_v, sem_g)
        cq = pltpu.async_copy(q_hbm.at[idx_v], qg_v, sem_g)
        cp.wait()
        cq.wait()
        pltpu.sync_copy(pg_v, pgo_hbm.at[pl.ds(base, e_w)])
        pltpu.sync_copy(qg_v, qgo_hbm.at[pl.ds(base, e_w)])
        cs.wait()

    winner, idxo, pg, qg = sc_a(ei0, ei1, p_flat, q_flat)

    @functools.partial(
        pl.kernel,
        out_type=jax.ShapeDtypeStruct((e_total,), jnp.int32),
        mesh=mesh,
        scratch_types=(
            pltpu.VMEM((e_w,), jnp.int32),
            pltpu.VMEM((e_w,), jnp.int32),
            pltpu.SemaphoreType.DMA,
        ),
    )
    def sc_b(idxo_hbm, winner_hbm, wb_hbm, idx_v, wb_v, sem):
        wid = lax.axis_index("s") * _NC + lax.axis_index("c")
        base = wid * e_w
        pltpu.sync_copy(idxo_hbm.at[pl.ds(base, e_w)], idx_v)

        pltpu.async_copy(winner_hbm.at[idx_v], wb_v, sem).wait()
        pltpu.sync_copy(wb_v, wb_hbm.at[pl.ds(base, e_w)])

    wb = sc_b(idxo, winner)

    nn_f = float(nn)

    def c2_body(apq_ref, aqq_ref, w_ref, pg_ref, qg_ref, wb_ref, lab_ref,
                out_ref):
        pgv = pg_ref[...]
        qgv = qg_ref[...]
        wbv = wb_ref[...]
        lab = lab_ref[...]
        rows = lax.broadcasted_iota(jnp.int32, (r_rows, 128), 0)
        cols = lax.broadcasted_iota(jnp.int32, (r_rows, 128), 1)
        eid = rows * 128 + cols
        uniq = (wbv == eid).astype(jnp.float32)
        sig_q, sp_q = _sigmoid_softplus(qgv)
        _, sp_p = _sigmoid_softplus(pgv)
        hit_pq = jnp.sum(uniq * (pgv * sig_q - sp_p))
        hit_qq = jnp.sum(uniq * (qgv * sig_q - sp_q))
        u_cnt = jnp.sum(uniq)
        labf = lab.astype(jnp.float32)
        w = jnp.where(lab == 1, w_ref[0, 1], w_ref[0, 0])
        s_p = jnp.sum(w * (labf * pgv - sp_p))
        s_q = jnp.sum(w * (labf * qgv - sp_q))
        wsum = jnp.sum(w)
        denom = 2.0 * (nn_f - u_cnt)
        t_pq = jnp.sum(apq_ref[...])
        t_qq = jnp.sum(aqq_ref[...])
        mean_pq = (t_pq - hit_pq) / denom
        mean_qq = (t_qq - hit_qq) / denom
        out_ref[0, 0] = (-s_p / wsum - mean_pq) + mean_qq + 10.0 * (-s_q / wsum)

    loss = pl.pallas_call(
        c2_body,
        in_specs=[
            pl.BlockSpec(memory_space=pltpu.VMEM),
            pl.BlockSpec(memory_space=pltpu.VMEM),
            pl.BlockSpec(memory_space=pltpu.SMEM),
            pl.BlockSpec(memory_space=pltpu.VMEM),
            pl.BlockSpec(memory_space=pltpu.VMEM),
            pl.BlockSpec(memory_space=pltpu.VMEM),
            pl.BlockSpec(memory_space=pltpu.VMEM),
        ],
        out_specs=pl.BlockSpec(memory_space=pltpu.SMEM),
        out_shape=jax.ShapeDtypeStruct((1, 1), jnp.float32),
    )(part_pq.reshape(grid * ch_r, ch_c), part_qq.reshape(grid * ch_r, ch_c),
      w2d, pg.reshape(r_rows, 128), qg.reshape(r_rows, 128),
      wb.reshape(r_rows, 128), lab2d)

    return loss[0, 0]

# --- scband reference (transcript-rebuilt; emitter-appended) ---
"""Pipeline reference for scband-elbolploss-26723286515832 (READ-ONLY COPY).

The authoritative reference and input builder live on the scoring server;
editing this copy changes nothing except your own understanding.
"""

import jax, jax.numpy as jnp
import numpy as np

N = 4096
E = 65536


def setup_inputs(seed: int = 0) -> dict:
    key = jax.random.key(seed)
    k1, k2, k3, k4, k5 = jax.random.split(key, 5)
    return {
        "data": N,
        "p_a": jax.random.normal(k1, (N, N), dtype=jnp.float32),
        "q_a": jax.random.normal(k2, (N, N), dtype=jnp.float32),
        "edge_index": jax.random.randint(k3, (2, E), 0, N, dtype=jnp.int32),
        "edge_label": jax.random.randint(k4, (E,), 0, 2, dtype=jnp.int32),
        "weight": jax.random.uniform(k5, (2,), dtype=jnp.float32),
    }


def _nll_loss_weighted(log_probs, target, weight):
    # F.nll_loss with class weights, reduction='mean':
    # -sum(weight[target]*log_probs[i, target]) / sum(weight[target])
    w = weight[target]
    picked = jnp.take_along_axis(log_probs, target[:, None], axis=1)[:, 0]
    return -jnp.sum(w * picked) / jnp.sum(w)


def reference(data, p_a, q_a, edge_index, edge_label, weight):
    num_nodes = data
    p_flat = p_a.reshape(-1)
    q_flat = q_a.reshape(-1)
    idx = edge_index[0] * num_nodes + edge_index[1]
    # mask[idx] = 1 (scatter-overwrite)
    mask = jnp.zeros_like(q_flat).at[idx].set(1.0)
    miss = (mask == 0).astype(p_flat.dtype)  # [N*N]
    log_p = jax.nn.log_softmax(jnp.stack([jnp.zeros_like(p_flat), p_flat], axis=1), axis=1)
    log_q = jax.nn.log_softmax(jnp.stack([jnp.zeros_like(q_flat), q_flat], axis=1), axis=1)
    q_full = jnp.exp(log_q)
    miss_count = jnp.sum(miss)
    denom = miss_count * 2.0  # mean over [n_miss, 2] elements
    mean_pq_miss = jnp.sum(log_p * q_full * miss[:, None]) / denom
    mean_qq_miss = jnp.sum(q_full * log_q * miss[:, None]) / denom
    log_p_a_obs = log_p[idx]
    log_q_a_obs = log_q[idx]
    loss_p_a = _nll_loss_weighted(log_p_a_obs, edge_label, weight) - mean_pq_miss
    loss_q_a = mean_qq_miss
    loss_a_obs = 10.0 * _nll_loss_weighted(log_q_a_obs, edge_label, weight)
    return loss_p_a + loss_q_a + loss_a_obs

if __name__ == "__main__":
    import jax
    _d = setup_inputs()
    print(jax.jit(kernel)(*tuple(_d.values())))

</pallas_src>

<mosaic_0001>
#map = affine_map<(d0, d1) -> (0)>
module attributes {stable_mosaic.version = 14 : i64} {
  func.func @sc_a(%arg0: i32, %arg1: i32, %arg2: memref<65536xi32, #tpu.memory_space<hbm>>, %arg3: memref<65536xi32, #tpu.memory_space<hbm>>, %arg4: memref<16777216xf32, #tpu.memory_space<hbm>>, %arg5: memref<16777216xf32, #tpu.memory_space<hbm>>, %arg6: memref<16777216xi32, #tpu.memory_space<hbm>>, %arg7: memref<65536xi32, #tpu.memory_space<hbm>>, %arg8: memref<65536xf32, #tpu.memory_space<hbm>>, %arg9: memref<65536xf32, #tpu.memory_space<hbm>>, %arg10: memref<2048xi32, #tpu.memory_space<vmem>>, %arg11: memref<2048xi32, #tpu.memory_space<vmem>>, %arg12: memref<2048xi32, #tpu.memory_space<vmem>>, %arg13: memref<2048xi32, #tpu.memory_space<vmem>>, %arg14: memref<2048xf32, #tpu.memory_space<vmem>>, %arg15: memref<2048xf32, #tpu.memory_space<vmem>>, %arg16: memref<!tpu.dma_semaphore, #tpu.memory_space<semaphore_mem>>, %arg17: memref<!tpu.dma_semaphore, #tpu.memory_space<semaphore_mem>>) attributes {dimension_semantics = [#tpu.dimension_semantics<core_parallel>, #tpu.dimension_semantics<subcore_parallel>], iteration_bounds = array<i64: 2, 16>, scalar_prefetch = 0 : i64, scratch_operands = 8 : i64, tpu.core_type = #tpu.core_type<sc_vector_subcore>, window_params = [{transform_indices = #map}, {transform_indices = #map}, {transform_indices = #map}, {transform_indices = #map}, {transform_indices = #map}, {transform_indices = #map}, {transform_indices = #map}, {transform_indices = #map}]} {
    %mul3A = arith.constant 2 : i32
    %mul3A_0 = arith.muli %arg1, %mul3A : i32
    %add3A = arith.addi %mul3A_0, %arg0 : i32
    %mul3A_1 = arith.constant 2048 : i32
    %mul3A_2 = arith.muli %add3A, %mul3A_1 : i32
    "tpu.region"() ({
      %run_scoped3A = tpu.sem_alloc : memref<!tpu.dma_semaphore, #tpu.memory_space<semaphore_mem>>
      %dma_start3A_19 = tpu.memref_slice %arg2[%mul3A_2] : memref<65536xi32, #tpu.memory_space<hbm>> -> memref<2048xi32, #tpu.memory_space<hbm>>
      %dma_start3A_20 = tpu.memref_slice %arg2[%mul3A_2] : memref<65536xi32, #tpu.memory_space<hbm>> -> memref<2048xi32, #tpu.memory_space<hbm>>
      tpu.enqueue_dma source(%dma_start3A_20 : memref<2048xi32, #tpu.memory_space<hbm>>) target(%arg10 : memref<2048xi32, #tpu.memory_space<vmem>>) target_semaphore(%run_scoped3A : memref<!tpu.dma_semaphore, #tpu.memory_space<semaphore_mem>>)
      %dma_wait3A_21 = tpu.memref_slice %arg2[%mul3A_2] : memref<65536xi32, #tpu.memory_space<hbm>> -> memref<2048xi32, #tpu.memory_space<hbm>>
      %dma_wait3A_22 = tpu.memref_slice %arg2[%mul3A_2] : memref<65536xi32, #tpu.memory_space<hbm>> -> memref<2048xi32, #tpu.memory_space<hbm>>
      tpu.wait_dma2 semaphore(%run_scoped3A : memref<!tpu.dma_semaphore, #tpu.memory_space<semaphore_mem>>) src(%dma_wait3A_22 : memref<2048xi32, #tpu.memory_space<hbm>>) dst(%arg10 : memref<2048xi32, #tpu.memory_space<vmem>>)
      tpu.yield
    }) : () -> ()
    "tpu.region"() ({
      %run_scoped3A = tpu.sem_alloc : memref<!tpu.dma_semaphore, #tpu.memory_space<semaphore_mem>>
      %dma_start3A_19 = tpu.memref_slice %arg3[%mul3A_2] : memref<65536xi32, #tpu.memory_space<hbm>> -> memref<2048xi32, #tpu.memory_space<hbm>>
      %dma_start3A_20 = tpu.memref_slice %arg3[%mul3A_2] : memref<65536xi32, #tpu.memory_space<hbm>> -> memref<2048xi32, #tpu.memory_space<hbm>>
      tpu.enqueue_dma source(%dma_start3A_20 : memref<2048xi32, #tpu.memory_space<hbm>>) target(%arg11 : memref<2048xi32, #tpu.memory_space<vmem>>) target_semaphore(%run_scoped3A : memref<!tpu.dma_semaphore, #tpu.memory_space<semaphore_mem>>)
      %dma_wait3A_21 = tpu.memref_slice %arg3[%mul3A_2] : memref<65536xi32, #tpu.memory_space<hbm>> -> memref<2048xi32, #tpu.memory_space<hbm>>
      %dma_wait3A_22 = tpu.memref_slice %arg3[%mul3A_2] : memref<65536xi32, #tpu.memory_space<hbm>> -> memref<2048xi32, #tpu.memory_space<hbm>>
      tpu.wait_dma2 semaphore(%run_scoped3A : memref<!tpu.dma_semaphore, #tpu.memory_space<semaphore_mem>>) src(%dma_wait3A_22 : memref<2048xi32, #tpu.memory_space<hbm>>) dst(%arg11 : memref<2048xi32, #tpu.memory_space<vmem>>)
      tpu.yield
    }) : () -> ()
    %scan3A = arith.constant 0 : i32
    %scan3A_3 = arith.constant 0 : i32
    %scan3A_4 = arith.constant 128 : i32
    %scan3A_5 = arith.addi %scan3A_3, %scan3A_4 : i32
    %scan3A_6 = arith.constant 1 : i32
    %scan3A_7 = scf.for %scan3A_19 = %scan3A_3 to %scan3A_5 step %scan3A_6 iter_args(%scan3A_20 = %scan3A) -> (i32)  : i32 {
      %mul3A_21 = arith.constant 16 : i32
      %mul3A_22 = arith.muli %scan3A_19, %mul3A_21 : i32
      %get3A = arith.index_cast %mul3A_22 : i32 to index
      %get3A_23 = tpu.vector_load %arg10[%get3A] {strides = array<i32>} : memref<2048xi32, #tpu.memory_space<vmem>>, vector<16xi32>,
      %get3A_24 = vector.shape_cast %get3A_23 : vector<16xi32> to vector<16xi32>
      %mul3A_25 = arith.constant 4096 : i32
      %mul3A_26 = vector.broadcast %mul3A_25 : i32 to vector<16xi32>
      %mul3A_27 = arith.muli %get3A_24, %mul3A_26 : vector<16xi32>
      %get3A_28 = arith.index_cast %mul3A_22 : i32 to index
      %get3A_29 = tpu.vector_load %arg11[%get3A_28] {strides = array<i32>} : memref<2048xi32, #tpu.memory_space<vmem>>, vector<16xi32>,
      %get3A_30 = vector.shape_cast %get3A_29 : vector<16xi32> to vector<16xi32>
      %add3A_31 = arith.addi %mul3A_27, %get3A_30 : vector<16xi32>
      %swap3A = arith.index_cast %mul3A_22 : i32 to index
      %swap3A_32 = tpu.vector_load %arg12[%swap3A] {strides = array<i32>} : memref<2048xi32, #tpu.memory_space<vmem>>, vector<16xi32>,
      %swap3A_33 = vector.shape_cast %swap3A_32 : vector<16xi32> to vector<16xi32>
      %swap3A_34 = vector.shape_cast %add3A_31 : vector<16xi32> to vector<16xi32>
      tpu.vector_store %arg12[%swap3A], %swap3A_34 {strides = array<i32>} : memref<2048xi32, #tpu.memory_space<vmem>>, vector<16xi32>,
      %mul3A_35 = arith.constant 16 : i32
      %mul3A_36 = arith.muli %scan3A_19, %mul3A_35 : i32
      %add3A_37 = arith.addi %mul3A_2, %mul3A_36 : i32
      %iota3A = tpu.iota {dimensions = array<i32: 0>} : vector<16xi32>
      %add3A_38 = vector.broadcast %add3A_37 : i32 to vector<16xi32>
      %add3A_39 = arith.addi %add3A_38, %iota3A : vector<16xi32>
      %swap3A_40 = arith.index_cast %mul3A_22 : i32 to index
      %swap3A_41 = tpu.vector_load %arg13[%swap3A_40] {strides = array<i32>} : memref<2048xi32, #tpu.memory_space<vmem>>, vector<16xi32>,
      %swap3A_42 = vector.shape_cast %swap3A_41 : vector<16xi32> to vector<16xi32>
      %swap3A_43 = vector.shape_cast %add3A_39 : vector<16xi32> to vector<16xi32>
      tpu.vector_store %arg13[%swap3A_40], %swap3A_43 {strides = array<i32>} : memref<2048xi32, #tpu.memory_space<vmem>>, vector<16xi32>,
      %scan3A_44 = arith.constant 0 : i32
      scf.yield %scan3A_44 : i32
    }
    %scan3A_8 = arith.constant 128 : i32
    "tpu.region"() ({
      %run_scoped3A = tpu.sem_alloc : memref<!tpu.dma_semaphore, #tpu.memory_space<semaphore_mem>>
      %dma_start3A_19 = tpu.memref_slice %arg7[%mul3A_2] : memref<65536xi32, #tpu.memory_space<hbm>> -> memref<2048xi32, #tpu.memory_space<hbm>>
      %dma_start3A_20 = tpu.memref_slice %arg7[%mul3A_2] : memref<65536xi32, #tpu.memory_space<hbm>> -> memref<2048xi32, #tpu.memory_space<hbm>>
      tpu.enqueue_dma source(%arg12 : memref<2048xi32, #tpu.memory_space<vmem>>) target(%dma_start3A_20 : memref<2048xi32, #tpu.memory_space<hbm>>) target_semaphore(%run_scoped3A : memref<!tpu.dma_semaphore, #tpu.memory_space<semaphore_mem>>)
      %dma_wait3A_21 = tpu.memref_slice %arg7[%mul3A_2] : memref<65536xi32, #tpu.memory_space<hbm>> -> memref<2048xi32, #tpu.memory_space<hbm>>
      %dma_wait3A_22 = tpu.memref_slice %arg7[%mul3A_2] : memref<65536xi32, #tpu.memory_space<hbm>> -> memref<2048xi32, #tpu.memory_space<hbm>>
      tpu.wait_dma2 semaphore(%run_scoped3A : memref<!tpu.dma_semaphore, #tpu.memory_space<semaphore_mem>>) src(%arg12 : memref<2048xi32, #tpu.memory_space<vmem>>) dst(%dma_wait3A_22 : memref<2048xi32, #tpu.memory_space<hbm>>)
      tpu.yield
    }) : () -> ()
    %dma_start3A = arith.constant 0 : i32
    %dma_start3A_9 = tpu.memref_slice %arg6[%dma_start3A] : memref<16777216xi32, #tpu.memory_space<hbm>> -> memref<16777216xi32, #tpu.memory_space<hbm>>
    tpu.enqueue_indirect_dma source(%arg13 : memref<2048xi32, #tpu.memory_space<vmem>>) target(%dma_start3A_9 : memref<16777216xi32, #tpu.memory_space<hbm>>) offsets(%arg12 : memref<2048xi32, #tpu.memory_space<vmem>>) semaphore(%arg16 : memref<!tpu.dma_semaphore, #tpu.memory_space<semaphore_mem>>)
    %dma_start3A_10 = arith.constant 0 : i32
    %dma_start3A_11 = tpu.memref_slice %arg4[%dma_start3A_10] : memref<16777216xf32, #tpu.memory_space<hbm>> -> memref<16777216xf32, #tpu.memory_space<hbm>>
    tpu.enqueue_indirect_dma source(%dma_start3A_11 : memref<16777216xf32, #tpu.memory_space<hbm>>) target(%arg14 : memref<2048xf32, #tpu.memory_space<vmem>>) offsets(%arg12 : memref<2048xi32, #tpu.memory_space<vmem>>) semaphore(%arg17 : memref<!tpu.dma_semaphore, #tpu.memory_space<semaphore_mem>>)
    %dma_start3A_12 = arith.constant 0 : i32
    %dma_start3A_13 = tpu.memref_slice %arg5[%dma_start3A_12] : memref<16777216xf32, #tpu.memory_space<hbm>> -> memref<16777216xf32, #tpu.memory_space<hbm>>
    tpu.enqueue_indirect_dma source(%dma_start3A_13 : memref<16777216xf32, #tpu.memory_space<hbm>>) target(%arg15 : memref<2048xf32, #tpu.memory_space<vmem>>) offsets(%arg12 : memref<2048xi32, #tpu.memory_space<vmem>>) semaphore(%arg17 : memref<!tpu.dma_semaphore, #tpu.memory_space<semaphore_mem>>)
    %dma_wait3A = arith.constant 0 : i32
    %dma_wait3A_14 = tpu.memref_slice %arg4[%dma_wait3A] : memref<16777216xf32, #tpu.memory_space<hbm>> -> memref<16777216xf32, #tpu.memory_space<hbm>>
    tpu.wait_indirect_dma semaphore(%arg17 : memref<!tpu.dma_semaphore, #tpu.memory_space<semaphore_mem>>) src(%dma_wait3A_14 : memref<16777216xf32, #tpu.memory_space<hbm>>) dst(%arg14 : memref<2048xf32, #tpu.memory_space<vmem>>)
    %dma_wait3A_15 = arith.constant 0 : i32
    %dma_wait3A_16 = tpu.memref_slice %arg5[%dma_wait3A_15] : memref<16777216xf32, #tpu.memory_space<hbm>> -> memref<16777216xf32, #tpu.memory_space<hbm>>
    tpu.wait_indirect_dma semaphore(%arg17 : memref<!tpu.dma_semaphore, #tpu.memory_space<semaphore_mem>>) src(%dma_wait3A_16 : memref<16777216xf32, #tpu.memory_space<hbm>>) dst(%arg15 : memref<2048xf32, #tpu.memory_space<vmem>>)
    "tpu.region"() ({
      %run_scoped3A = tpu.sem_alloc : memref<!tpu.dma_semaphore, #tpu.memory_space<semaphore_mem>>
      %dma_start3A_19 = tpu.memref_slice %arg8[%mul3A_2] : memref<65536xf32, #tpu.memory_space<hbm>> -> memref<2048xf32, #tpu.memory_space<hbm>>
      %dma_start3A_20 = tpu.memref_slice %arg8[%mul3A_2] : memref<65536xf32, #tpu.memory_space<hbm>> -> memref<2048xf32, #tpu.memory_space<hbm>>
      tpu.enqueue_dma source(%arg14 : memref<2048xf32, #tpu.memory_space<vmem>>) target(%dma_start3A_20 : memref<2048xf32, #tpu.memory_space<hbm>>) target_semaphore(%run_scoped3A : memref<!tpu.dma_semaphore, #tpu.memory_space<semaphore_mem>>)
      %dma_wait3A_21 = tpu.memref_slice %arg8[%mul3A_2] : memref<65536xf32, #tpu.memory_space<hbm>> -> memref<2048xf32, #tpu.memory_space<hbm>>
      %dma_wait3A_22 = tpu.memref_slice %arg8[%mul3A_2] : memref<65536xf32, #tpu.memory_space<hbm>> -> memref<2048xf32, #tpu.memory_space<hbm>>
      tpu.wait_dma2 semaphore(%run_scoped3A : memref<!tpu.dma_semaphore, #tpu.memory_space<semaphore_mem>>) src(%arg14 : memref<2048xf32, #tpu.memory_space<vmem>>) dst(%dma_wait3A_22 : memref<2048xf32, #tpu.memory_space<hbm>>)
      tpu.yield
    }) : () -> ()
    "tpu.region"() ({
      %run_scoped3A = tpu.sem_alloc : memref<!tpu.dma_semaphore, #tpu.memory_space<semaphore_mem>>
      %dma_start3A_19 = tpu.memref_slice %arg9[%mul3A_2] : memref<65536xf32, #tpu.memory_space<hbm>> -> memref<2048xf32, #tpu.memory_space<hbm>>
      %dma_start3A_20 = tpu.memref_slice %arg9[%mul3A_2] : memref<65536xf32, #tpu.memory_space<hbm>> -> memref<2048xf32, #tpu.memory_space<hbm>>
      tpu.enqueue_dma source(%arg15 : memref<2048xf32, #tpu.memory_space<vmem>>) target(%dma_start3A_20 : memref<2048xf32, #tpu.memory_space<hbm>>) target_semaphore(%run_scoped3A : memref<!tpu.dma_semaphore, #tpu.memory_space<semaphore_mem>>)
      %dma_wait3A_21 = tpu.memref_slice %arg9[%mul3A_2] : memref<65536xf32, #tpu.memory_space<hbm>> -> memref<2048xf32, #tpu.memory_space<hbm>>
      %dma_wait3A_22 = tpu.memref_slice %arg9[%mul3A_2] : memref<65536xf32, #tpu.memory_space<hbm>> -> memref<2048xf32, #tpu.memory_space<hbm>>
      tpu.wait_dma2 semaphore(%run_scoped3A : memref<!tpu.dma_semaphore, #tpu.memory_space<semaphore_mem>>) src(%arg15 : memref<2048xf32, #tpu.memory_space<vmem>>) dst(%dma_wait3A_22 : memref<2048xf32, #tpu.memory_space<hbm>>)
      tpu.yield
    }) : () -> ()
    %dma_wait3A_17 = arith.constant 0 : i32
    %dma_wait3A_18 = tpu.memref_slice %arg6[%dma_wait3A_17] : memref<16777216xi32, #tpu.memory_space<hbm>> -> memref<16777216xi32, #tpu.memory_space<hbm>>
    tpu.wait_indirect_dma semaphore(%arg16 : memref<!tpu.dma_semaphore, #tpu.memory_space<semaphore_mem>>) src(%arg13 : memref<2048xi32, #tpu.memory_space<vmem>>) dst(%dma_wait3A_18 : memref<16777216xi32, #tpu.memory_space<hbm>>)
    return
  }
}

#map = affine_map<(d0, d1) -> (0)>
module attributes {stable_mosaic.version = 14 : i64} {
  func.func @sc_b(%arg0: i32, %arg1: i32, %arg2: memref<65536xi32, #tpu.memory_space<hbm>>, %arg3: memref<16777216xi32, #tpu.memory_space<hbm>>, %arg4: memref<65536xi32, #tpu.memory_space<hbm>>, %arg5: memref<2048xi32, #tpu.memory_space<vmem>>, %arg6: memref<2048xi32, #tpu.memory_space<vmem>>, %arg7: memref<!tpu.dma_semaphore, #tpu.memory_space<semaphore_mem>>) attributes {dimension_semantics = [#tpu.dimension_semantics<core_parallel>, #tpu.dimension_semantics<subcore_parallel>], iteration_bounds = array<i64: 2, 16>, scalar_prefetch = 0 : i64, scratch_operands = 3 : i64, tpu.core_type = #tpu.core_type<sc_vector_subcore>, window_params = [{transform_indices = #map}, {transform_indices = #map}, {transform_indices = #map}]} {
    %mul3A = arith.constant 2 : i32
    %mul3A_0 = arith.muli %arg1, %mul3A : i32
    %add3A = arith.addi %mul3A_0, %arg0 : i32
    %mul3A_1 = arith.constant 2048 : i32
    %mul3A_2 = arith.muli %add3A, %mul3A_1 : i32
    "tpu.region"() ({
      %run_scoped3A = tpu.sem_alloc : memref<!tpu.dma_semaphore, #tpu.memory_space<semaphore_mem>>
      %dma_start3A_5 = tpu.memref_slice %arg2[%mul3A_2] : memref<65536xi32, #tpu.memory_space<hbm>> -> memref<2048xi32, #tpu.memory_space<hbm>>
      %dma_start3A_6 = tpu.memref_slice %arg2[%mul3A_2] : memref<65536xi32, #tpu.memory_space<hbm>> -> memref<2048xi32, #tpu.memory_space<hbm>>
      tpu.enqueue_dma source(%dma_start3A_6 : memref<2048xi32, #tpu.memory_space<hbm>>) target(%arg5 : memref<2048xi32, #tpu.memory_space<vmem>>) target_semaphore(%run_scoped3A : memref<!tpu.dma_semaphore, #tpu.memory_space<semaphore_mem>>)
      %dma_wait3A_7 = tpu.memref_slice %arg2[%mul3A_2] : memref<65536xi32, #tpu.memory_space<hbm>> -> memref<2048xi32, #tpu.memory_space<hbm>>
      %dma_wait3A_8 = tpu.memref_slice %arg2[%mul3A_2] : memref<65536xi32, #tpu.memory_space<hbm>> -> memref<2048xi32, #tpu.memory_space<hbm>>
      tpu.wait_dma2 semaphore(%run_scoped3A : memref<!tpu.dma_semaphore, #tpu.memory_space<semaphore_mem>>) src(%dma_wait3A_8 : memref<2048xi32, #tpu.memory_space<hbm>>) dst(%arg5 : memref<2048xi32, #tpu.memory_space<vmem>>)
      tpu.yield
    }) : () -> ()
    %dma_start3A = arith.constant 0 : i32
    %dma_start3A_3 = tpu.memref_slice %arg3[%dma_start3A] : memref<16777216xi32, #tpu.memory_space<hbm>> -> memref<16777216xi32, #tpu.memory_space<hbm>>
    tpu.enqueue_indirect_dma source(%dma_start3A_3 : memref<16777216xi32, #tpu.memory_space<hbm>>) target(%arg6 : memref<2048xi32, #tpu.memory_space<vmem>>) offsets(%arg5 : memref<2048xi32, #tpu.memory_space<vmem>>) semaphore(%arg7 : memref<!tpu.dma_semaphore, #tpu.memory_space<semaphore_mem>>)
    %dma_wait3A = arith.constant 0 : i32
    %dma_wait3A_4 = tpu.memref_slice %arg3[%dma_wait3A] : memref<16777216xi32, #tpu.memory_space<hbm>> -> memref<16777216xi32, #tpu.memory_space<hbm>>
    tpu.wait_indirect_dma semaphore(%arg7 : memref<!tpu.dma_semaphore, #tpu.memory_space<semaphore_mem>>) src(%dma_wait3A_4 : memref<16777216xi32, #tpu.memory_space<hbm>>) dst(%arg6 : memref<2048xi32, #tpu.memory_space<vmem>>)
    "tpu.region"() ({
      %run_scoped3A = tpu.sem_alloc : memref<!tpu.dma_semaphore, #tpu.memory_space<semaphore_mem>>
      %dma_start3A_5 = tpu.memref_slice %arg4[%mul3A_2] : memref<65536xi32, #tpu.memory_space<hbm>> -> memref<2048xi32, #tpu.memory_space<hbm>>
      %dma_start3A_6 = tpu.memref_slice %arg4[%mul3A_2] : memref<65536xi32, #tpu.memory_space<hbm>> -> memref<2048xi32, #tpu.memory_space<hbm>>
      tpu.enqueue_dma source(%arg6 : memref<2048xi32, #tpu.memory_space<vmem>>) target(%dma_start3A_6 : memref<2048xi32, #tpu.memory_space<hbm>>) target_semaphore(%run_scoped3A : memref<!tpu.dma_semaphore, #tpu.memory_space<semaphore_mem>>)
      %dma_wait3A_7 = tpu.memref_slice %arg4[%mul3A_2] : memref<65536xi32, #tpu.memory_space<hbm>> -> memref<2048xi32, #tpu.memory_space<hbm>>
      %dma_wait3A_8 = tpu.memref_slice %arg4[%mul3A_2] : memref<65536xi32, #tpu.memory_space<hbm>> -> memref<2048xi32, #tpu.memory_space<hbm>>
      tpu.wait_dma2 semaphore(%run_scoped3A : memref<!tpu.dma_semaphore, #tpu.memory_space<semaphore_mem>>) src(%arg6 : memref<2048xi32, #tpu.memory_space<vmem>>) dst(%dma_wait3A_8 : memref<2048xi32, #tpu.memory_space<hbm>>)
      tpu.yield
    }) : () -> ()
    return
  }
}

module attributes {stable_mosaic.version = 14 : i64} {
  func.func @c2_body(%arg0: memref<128x1024xf32, #tpu.memory_space<vmem>>, %arg1: memref<128x1024xf32, #tpu.memory_space<vmem>>, %arg2: memref<1x2xf32, #tpu.memory_space<smem>>, %arg3: memref<512x128xf32, #tpu.memory_space<vmem>>, %arg4: memref<512x128xf32, #tpu.memory_space<vmem>>, %arg5: memref<512x128xi32, #tpu.memory_space<vmem>>, %arg6: memref<512x128xi32, #tpu.memory_space<vmem>>, %arg7: memref<1x1xf32, #tpu.memory_space<smem>>) attributes {dimension_semantics = [], scalar_prefetch = 0 : i64, scratch_operands = 0 : i64, tpu.core_type = #tpu.core_type<tc>} {
    %get3A = arith.constant 0 : index
    %get3A_0 = arith.constant 0 : index
    %get3A_1 = vector.load %arg3[%get3A, %get3A_0] : memref<512x128xf32, #tpu.memory_space<vmem>>, vector<512x128xf32>
    %get3A_2 = arith.constant 0 : index
    %get3A_3 = arith.constant 0 : index
    %get3A_4 = vector.load %arg4[%get3A_2, %get3A_3] : memref<512x128xf32, #tpu.memory_space<vmem>>, vector<512x128xf32>
    %get3A_5 = arith.constant 0 : index
    %get3A_6 = arith.constant 0 : index
    %get3A_7 = vector.load %arg5[%get3A_5, %get3A_6] : memref<512x128xi32, #tpu.memory_space<vmem>>, vector<512x128xi32>
    %get3A_8 = arith.constant 0 : index
    %get3A_9 = arith.constant 0 : index
    %get3A_10 = vector.load %arg6[%get3A_8, %get3A_9] : memref<512x128xi32, #tpu.memory_space<vmem>>, vector<512x128xi32>
    %iota3A = tpu.iota {dimensions = array<i32: 0>} : vector<512x128xi32>
    %iota3A_11 = tpu.iota {dimensions = array<i32: 1>} : vector<512x128xi32>
    %mul3A = arith.constant 128 : i32
    %mul3A_12 = vector.broadcast %mul3A : i32 to vector<512x128xi32>
    %mul3A_13 = arith.muli %iota3A, %mul3A_12 : vector<512x128xi32>
    %add3A = arith.addi %mul3A_13, %iota3A_11 : vector<512x128xi32>
    %eq3A = arith.cmpi eq, %get3A_7, %add3A : vector<512x128xi32>
    %convert_element_type3A = arith.extui %eq3A : vector<512x128xi1> to vector<512x128xi32>
    %convert_element_type3A_14 = arith.sitofp %convert_element_type3A : vector<512x128xi32> to vector<512x128xf32>
    %abs3A = math.absf %get3A_4 : vector<512x128xf32>
    %neg3A = arith.constant 0.000000e+00 : f32
    %neg3A_15 = vector.broadcast %neg3A : f32 to vector<512x128xf32>
    %neg3A_16 = arith.subf %neg3A_15, %abs3A : vector<512x128xf32>
    %exp3A = math.exp %neg3A_16 : vector<512x128xf32>
    %add3A_17 = arith.constant 1.000000e+00 : f32
    %add3A_18 = vector.broadcast %add3A_17 : f32 to vector<512x128xf32>
    %add3A_19 = arith.addf %add3A_18, %exp3A : vector<512x128xf32>
    %div3A = arith.constant 1.000000e+00 : f32
    %div3A_20 = vector.broadcast %div3A : f32 to vector<512x128xf32>
    %div3A_21 = arith.divf %div3A_20, %add3A_19 : vector<512x128xf32>
    %ge3A = arith.constant 0.000000e+00 : f32
    %ge3A_22 = vector.broadcast %ge3A : f32 to vector<512x128xf32>
    %ge3A_23 = arith.cmpf oge, %get3A_4, %ge3A_22 : vector<512x128xf32>
    %mul3A_24 = arith.mulf %exp3A, %div3A_21 : vector<512x128xf32>
    %select_n3A = arith.select %ge3A_23, %div3A_21, %mul3A_24 : vector<512x128xi1>, vector<512x128xf32>
    %max3A = arith.constant 0.000000e+00 : f32
    %max3A_25 = vector.broadcast %max3A : f32 to vector<512x128xf32>
    %max3A_26 = arith.maximumf %get3A_4, %max3A_25 : vector<512x128xf32>
    %add3A_27 = arith.constant 1.000000e+00 : f32
    %add3A_28 = vector.broadcast %add3A_27 : f32 to vector<512x128xf32>
    %add3A_29 = arith.addf %add3A_28, %exp3A : vector<512x128xf32>
    %log3A = math.log %add3A_29 : vector<512x128xf32>
    %add3A_30 = arith.addf %max3A_26, %log3A : vector<512x128xf32>
    %abs3A_31 = math.absf %get3A_1 : vector<512x128xf32>
    %neg3A_32 = arith.constant 0.000000e+00 : f32
    %neg3A_33 = vector.broadcast %neg3A_32 : f32 to vector<512x128xf32>
    %neg3A_34 = arith.subf %neg3A_33, %abs3A_31 : vector<512x128xf32>
    %exp3A_35 = math.exp %neg3A_34 : vector<512x128xf32>
    %max3A_36 = arith.constant 0.000000e+00 : f32
    %max3A_37 = vector.broadcast %max3A_36 : f32 to vector<512x128xf32>
    %max3A_38 = arith.maximumf %get3A_1, %max3A_37 : vector<512x128xf32>
    %add3A_39 = arith.constant 1.000000e+00 : f32
    %add3A_40 = vector.broadcast %add3A_39 : f32 to vector<512x128xf32>
    %add3A_41 = arith.addf %add3A_40, %exp3A_35 : vector<512x128xf32>
    %log3A_42 = math.log %add3A_41 : vector<512x128xf32>
    %add3A_43 = arith.addf %max3A_38, %log3A_42 : vector<512x128xf32>
    %mul3A_44 = arith.mulf %get3A_1, %select_n3A : vector<512x128xf32>
    %sub3A = arith.subf %mul3A_44, %add3A_43 : vector<512x128xf32>
    %mul3A_45 = arith.mulf %convert_element_type3A_14, %sub3A : vector<512x128xf32>
    %reduce_sum3A = vector.shape_cast %mul3A_45 : vector<512x128xf32> to vector<1x512x128xf32>
    %reduce_sum3A_46 = arith.constant dense<0.000000e+00> : vector<1xf32>
    %reduce_sum3A_47 = vector.multi_reduction <add>, %reduce_sum3A, %reduce_sum3A_46 [1, 2] : vector<1x512x128xf32> to vector<1xf32>
    %reduce_sum3A_48 = vector.shape_cast %reduce_sum3A_47 : vector<1xf32> to vector<1x1x1xf32>
    %reduce_sum3A_49 = vector.extract %reduce_sum3A_48[0, 0, 0] : f32 from vector<1x1x1xf32>
    %mul3A_50 = arith.mulf %get3A_4, %select_n3A : vector<512x128xf32>
    %sub3A_51 = arith.subf %mul3A_50, %add3A_30 : vector<512x128xf32>
    %mul3A_52 = arith.mulf %convert_element_type3A_14, %sub3A_51 : vector<512x128xf32>
    %reduce_sum3A_53 = vector.shape_cast %mul3A_52 : vector<512x128xf32> to vector<1x512x128xf32>
    %reduce_sum3A_54 = arith.constant dense<0.000000e+00> : vector<1xf32>
    %reduce_sum3A_55 = vector.multi_reduction <add>, %reduce_sum3A_53, %reduce_sum3A_54 [1, 2] : vector<1x512x128xf32> to vector<1xf32>
    %reduce_sum3A_56 = vector.shape_cast %reduce_sum3A_55 : vector<1xf32> to vector<1x1x1xf32>
    %reduce_sum3A_57 = vector.extract %reduce_sum3A_56[0, 0, 0] : f32 from vector<1x1x1xf32>
    %reduce_sum3A_58 = vector.shape_cast %convert_element_type3A_14 : vector<512x128xf32> to vector<1x512x128xf32>
    %reduce_sum3A_59 = arith.constant dense<0.000000e+00> : vector<1xf32>
    %reduce_sum3A_60 = vector.multi_reduction <add>, %reduce_sum3A_58, %reduce_sum3A_59 [1, 2] : vector<1x512x128xf32> to vector<1xf32>
    %reduce_sum3A_61 = vector.shape_cast %reduce_sum3A_60 : vector<1xf32> to vector<1x1x1xf32>
    %reduce_sum3A_62 = vector.extract %reduce_sum3A_61[0, 0, 0] : f32 from vector<1x1x1xf32>
    %convert_element_type3A_63 = arith.sitofp %get3A_10 : vector<512x128xi32> to vector<512x128xf32>
    %eq3A_64 = arith.constant 1 : i32
    %eq3A_65 = vector.broadcast %eq3A_64 : i32 to vector<512x128xi32>
    %eq3A_66 = arith.cmpi eq, %get3A_10, %eq3A_65 : vector<512x128xi32>
    %get3A_67 = arith.constant 0 : index
    %get3A_68 = arith.constant 1 : index
    %get3A_69 = memref.load %arg2[%get3A_67, %get3A_68] : memref<1x2xf32, #tpu.memory_space<smem>>
    %get3A_70 = arith.constant 0 : index
    %get3A_71 = arith.constant 0 : index
    %get3A_72 = memref.load %arg2[%get3A_70, %get3A_71] : memref<1x2xf32, #tpu.memory_space<smem>>
    %broadcast_in_dim3A = vector.broadcast %get3A_69 : f32 to vector<512x128xf32>
    %broadcast_in_dim3A_73 = vector.broadcast %get3A_72 : f32 to vector<512x128xf32>
    %select_n3A_74 = arith.select %eq3A_66, %broadcast_in_dim3A, %broadcast_in_dim3A_73 : vector<512x128xi1>, vector<512x128xf32>
    %mul3A_75 = arith.mulf %convert_element_type3A_63, %get3A_1 : vector<512x128xf32>
    %sub3A_76 = arith.subf %mul3A_75, %add3A_43 : vector<512x128xf32>
    %mul3A_77 = arith.mulf %select_n3A_74, %sub3A_76 : vector<512x128xf32>
    %reduce_sum3A_78 = vector.shape_cast %mul3A_77 : vector<512x128xf32> to vector<1x512x128xf32>
    %reduce_sum3A_79 = arith.constant dense<0.000000e+00> : vector<1xf32>
    %reduce_sum3A_80 = vector.multi_reduction <add>, %reduce_sum3A_78, %reduce_sum3A_79 [1, 2] : vector<1x512x128xf32> to vector<1xf32>
    %reduce_sum3A_81 = vector.shape_cast %reduce_sum3A_80 : vector<1xf32> to vector<1x1x1xf32>
    %reduce_sum3A_82 = vector.extract %reduce_sum3A_81[0, 0, 0] : f32 from vector<1x1x1xf32>
    %mul3A_83 = arith.mulf %convert_element_type3A_63, %get3A_4 : vector<512x128xf32>
    %sub3A_84 = arith.subf %mul3A_83, %add3A_30 : vector<512x128xf32>
    %mul3A_85 = arith.mulf %select_n3A_74, %sub3A_84 : vector<512x128xf32>
    %reduce_sum3A_86 = vector.shape_cast %mul3A_85 : vector<512x128xf32> to vector<1x512x128xf32>
    %reduce_sum3A_87 = arith.constant dense<0.000000e+00> : vector<1xf32>
    %reduce_sum3A_88 = vector.multi_reduction <add>, %reduce_sum3A_86, %reduce_sum3A_87 [1, 2] : vector<1x512x128xf32> to vector<1xf32>
    %reduce_sum3A_89 = vector.shape_cast %reduce_sum3A_88 : vector<1xf32> to vector<1x1x1xf32>
    %reduce_sum3A_90 = vector.extract %reduce_sum3A_89[0, 0, 0] : f32 from vector<1x1x1xf32>
    %reduce_sum3A_91 = vector.shape_cast %select_n3A_74 : vector<512x128xf32> to vector<1x512x128xf32>
    %reduce_sum3A_92 = arith.constant dense<0.000000e+00> : vector<1xf32>
    %reduce_sum3A_93 = vector.multi_reduction <add>, %reduce_sum3A_91, %reduce_sum3A_92 [1, 2] : vector<1x512x128xf32> to vector<1xf32>
    %reduce_sum3A_94 = vector.shape_cast %reduce_sum3A_93 : vector<1xf32> to vector<1x1x1xf32>
    %reduce_sum3A_95 = vector.extract %reduce_sum3A_94[0, 0, 0] : f32 from vector<1x1x1xf32>
    %sub3A_96 = arith.constant 0x4B800000 : f32
    %sub3A_97 = arith.subf %sub3A_96, %reduce_sum3A_62 : f32
    %mul3A_98 = arith.constant 2.000000e+00 : f32
    %mul3A_99 = arith.mulf %mul3A_98, %sub3A_97 : f32
    %get3A_100 = arith.constant 0 : index
    %get3A_101 = arith.constant 0 : index
    %get3A_102 = vector.load %arg0[%get3A_100, %get3A_101] : memref<128x1024xf32, #tpu.memory_space<vmem>>, vector<128x1024xf32>
    %reduce_sum3A_103 = vector.shape_cast %get3A_102 : vector<128x1024xf32> to vector<1x128x1024xf32>
    %reduce_sum3A_104 = arith.constant dense<0.000000e+00> : vector<1xf32>
    %reduce_sum3A_105 = vector.multi_reduction <add>, %reduce_sum3A_103, %reduce_sum3A_104 [1, 2] : vector<1x128x1024xf32> to vector<1xf32>
    %reduce_sum3A_106 = vector.shape_cast %reduce_sum3A_105 : vector<1xf32> to vector<1x1x1xf32>
    %reduce_sum3A_107 = vector.extract %reduce_sum3A_106[0, 0, 0] : f32 from vector<1x1x1xf32>
    %get3A_108 = arith.constant 0 : index
    %get3A_109 = arith.constant 0 : index
    %get3A_110 = vector.load %arg1[%get3A_108, %get3A_109] : memref<128x1024xf32, #tpu.memory_space<vmem>>, vector<128x1024xf32>
    %reduce_sum3A_111 = vector.shape_cast %get3A_110 : vector<128x1024xf32> to vector<1x128x1024xf32>
    %reduce_sum3A_112 = arith.constant dense<0.000000e+00> : vector<1xf32>
    %reduce_sum3A_113 = vector.multi_reduction <add>, %reduce_sum3A_111, %reduce_sum3A_112 [1, 2] : vector<1x128x1024xf32> to vector<1xf32>
    %reduce_sum3A_114 = vector.shape_cast %reduce_sum3A_113 : vector<1xf32> to vector<1x1x1xf32>
    %reduce_sum3A_115 = vector.extract %reduce_sum3A_114[0, 0, 0] : f32 from vector<1x1x1xf32>
    %sub3A_116 = arith.subf %reduce_sum3A_107, %reduce_sum3A_49 : f32
    %div3A_117 = arith.divf %sub3A_116, %mul3A_99 : f32
    %sub3A_118 = arith.subf %reduce_sum3A_115, %reduce_sum3A_57 : f32
    %div3A_119 = arith.divf %sub3A_118, %mul3A_99 : f32
    %neg3A_120 = arith.constant 0.000000e+00 : f32
    %neg3A_121 = arith.subf %neg3A_120, %reduce_sum3A_82 : f32
    %div3A_122 = arith.divf %neg3A_121, %reduce_sum3A_95 : f32
    %sub3A_123 = arith.subf %div3A_122, %div3A_117 : f32
    %add3A_124 = arith.addf %sub3A_123, %div3A_119 : f32
    %neg3A_125 = arith.constant 0.000000e+00 : f32
    %neg3A_126 = arith.subf %neg3A_125, %reduce_sum3A_90 : f32
    %div3A_127 = arith.divf %neg3A_126, %reduce_sum3A_95 : f32
    %mul3A_128 = arith.constant 1.000000e+01 : f32
    %mul3A_129 = arith.mulf %mul3A_128, %div3A_127 : f32
    %add3A_130 = arith.addf %add3A_124, %mul3A_129 : f32
    %swap3A = arith.constant 0 : index
    %swap3A_131 = arith.constant 0 : index
    %swap3A_132 = memref.load %arg7[%swap3A, %swap3A_131] : memref<1x1xf32, #tpu.memory_space<smem>>
    memref.store %add3A_130, %arg7[%swap3A, %swap3A_131] : memref<1x1xf32, #tpu.memory_space<smem>>
    return
  }
}

module attributes {stable_mosaic.version = 14 : i64} {
  func.func @c1_body(%arg0: i32, %arg1: memref<256x4096xf32, #tpu.memory_space<vmem>>, %arg2: memref<256x4096xf32, #tpu.memory_space<vmem>>, %arg3: memref<1x8x1024xf32, #tpu.memory_space<vmem>>, %arg4: memref<1x8x1024xf32, #tpu.memory_space<vmem>>, %arg5: memref<1048576xf32, #tpu.memory_space<vmem>>, %arg6: memref<1048576xf32, #tpu.memory_space<vmem>>) attributes {dimension_semantics = [#tpu.dimension_semantics<arbitrary>], iteration_bounds = array<i64: 16>, scalar_prefetch = 0 : i64, scratch_operands = 0 : i64, tpu.core_type = #tpu.core_type<tc>, window_params = [{transform_indices = @transform_0, window_bounds = array<i64: 256, 4096>}, {transform_indices = @transform_1, window_bounds = array<i64: 256, 4096>}, {transform_indices = @transform_2, window_bounds = array<i64: 1, 8, 1024>}, {transform_indices = @transform_3, window_bounds = array<i64: 1, 8, 1024>}, {transform_indices = @transform_4, window_bounds = array<i64: 1048576>}, {transform_indices = @transform_5, window_bounds = array<i64: 1048576>}]} {
    %get3A = arith.constant 0 : index
    %get3A_0 = arith.constant 0 : index
    %get3A_1 = vector.load %arg1[%get3A, %get3A_0] : memref<256x4096xf32, #tpu.memory_space<vmem>>, vector<256x4096xf32>
    %reshape3A = vector.shape_cast %get3A_1 : vector<256x4096xf32> to vector<1048576xf32>
    %swap3A = arith.constant 0 : index
    %swap3A_2 = vector.load %arg5[%swap3A] : memref<1048576xf32, #tpu.memory_space<vmem>>, vector<1048576xf32>
    tpu.vector_store %arg5[%swap3A], %reshape3A {strides = array<i32>} : memref<1048576xf32, #tpu.memory_space<vmem>>, vector<1048576xf32>,
    %get3A_3 = arith.constant 0 : index
    %get3A_4 = arith.constant 0 : index
    %get3A_5 = vector.load %arg2[%get3A_3, %get3A_4] : memref<256x4096xf32, #tpu.memory_space<vmem>>, vector<256x4096xf32>
    %reshape3A_6 = vector.shape_cast %get3A_5 : vector<256x4096xf32> to vector<1048576xf32>
    %swap3A_7 = arith.constant 0 : index
    %swap3A_8 = vector.load %arg6[%swap3A_7] : memref<1048576xf32, #tpu.memory_space<vmem>>, vector<1048576xf32>
    tpu.vector_store %arg6[%swap3A_7], %reshape3A_6 {strides = array<i32>} : memref<1048576xf32, #tpu.memory_space<vmem>>, vector<1048576xf32>,
    %broadcast_in_dim3A = arith.constant 0.000000e+00 : f32
    %broadcast_in_dim3A_9 = vector.broadcast %broadcast_in_dim3A : f32 to vector<8x1024xf32>
    %scan3A = arith.constant 0 : i32
    %scan3A_10 = arith.constant 128 : i32
    %scan3A_11 = arith.addi %scan3A, %scan3A_10 : i32
    %scan3A_12 = arith.constant 1 : i32
    %scan3A_13:2 = scf.for %scan3A_27 = %scan3A to %scan3A_11 step %scan3A_12 iter_args(%scan3A_28 = %broadcast_in_dim3A_9, %scan3A_29 = %broadcast_in_dim3A_9) -> (vector<8x1024xf32>, vector<8x1024xf32>)  : i32 {
      %jit3A = arith.constant 4 : i32
      %div3A = arith.divsi %scan3A_27, %jit3A : i32
      %sign3A = arith.constant 0 : i32
      %sign3A_30 = arith.cmpi sgt, %scan3A_27, %sign3A : i32
      %sign3A_31 = arith.extui %sign3A_30 : i1 to i32
      %sign3A_32 = arith.constant 0 : i32
      %sign3A_33 = arith.cmpi slt, %scan3A_27, %sign3A_32 : i32
      %sign3A_34 = arith.extui %sign3A_33 : i1 to i32
      %sign3A_35 = arith.subi %sign3A_31, %sign3A_34 : i32
      %sign3A_36 = arith.constant 0 : i32
      %sign3A_37 = arith.cmpi sgt, %jit3A, %sign3A_36 : i32
      %sign3A_38 = arith.extui %sign3A_37 : i1 to i32
      %sign3A_39 = arith.constant 0 : i32
      %sign3A_40 = arith.cmpi slt, %jit3A, %sign3A_39 : i32
      %sign3A_41 = arith.extui %sign3A_40 : i1 to i32
      %sign3A_42 = arith.subi %sign3A_38, %sign3A_41 : i32
      %ne3A = arith.cmpi ne, %sign3A_35, %sign3A_42 : i32
      %rem3A = arith.remsi %scan3A_27, %jit3A : i32
      %ne3A_43 = arith.constant 0 : i32
      %ne3A_44 = arith.cmpi ne, %rem3A, %ne3A_43 : i32
      %and3A = arith.andi %ne3A, %ne3A_44 : i1
      %sub3A = arith.constant 1 : i32
      %sub3A_45 = arith.subi %div3A, %sub3A : i32
      %select_n3A = arith.select %and3A, %sub3A_45, %div3A : i32
      %mul3A = arith.constant 8 : i32
      %mul3A_46 = arith.muli %select_n3A, %mul3A : i32
      %jit3A_47 = arith.constant 4 : i32
      %eq3A = arith.constant 0 : i32
      %eq3A_48 = arith.cmpi eq, %jit3A_47, %eq3A : i32
      %jit3A_49 = arith.constant 1 : i32
      %select_n3A_50 = arith.select %eq3A_48, %jit3A_49, %jit3A_47 : i32
      %rem3A_51 = arith.remsi %scan3A_27, %select_n3A_50 : i32
      %ne3A_52 = arith.constant 0 : i32
      %ne3A_53 = arith.cmpi ne, %rem3A_51, %ne3A_52 : i32
      %lt3A = arith.constant 0 : i32
      %lt3A_54 = arith.cmpi slt, %rem3A_51, %lt3A : i32
      %lt3A_55 = arith.constant 0 : i32
      %lt3A_56 = arith.cmpi slt, %select_n3A_50, %lt3A_55 : i32
      %ne3A_57 = arith.xori %lt3A_54, %lt3A_56 : i1
      %and3A_58 = arith.andi %ne3A_57, %ne3A_53 : i1
      %add3A = arith.addi %rem3A_51, %select_n3A_50 : i32
      %select_n3A_59 = arith.select %and3A_58, %add3A, %rem3A_51 : i32
      %mul3A_60 = arith.constant 1024 : i32
      %mul3A_61 = arith.muli %select_n3A_59, %mul3A_60 : i32
      %get3A_62 = arith.index_cast %mul3A_46 : i32 to index
      %get3A_63 = arith.index_cast %mul3A_61 : i32 to index
      %get3A_64 = vector.load %arg1[%get3A_62, %get3A_63] : memref<256x4096xf32, #tpu.memory_space<vmem>>, vector<8x1024xf32>
      %get3A_65 = arith.index_cast %mul3A_46 : i32 to index
      %get3A_66 = arith.index_cast %mul3A_61 : i32 to index
      %get3A_67 = vector.load %arg2[%get3A_65, %get3A_66] : memref<256x4096xf32, #tpu.memory_space<vmem>>, vector<8x1024xf32>
      %jit3A_68 = arith.constant -6.000000e+01 : f32
      %jit3A_69 = arith.constant 6.000000e+01 : f32
      %max3A = vector.broadcast %jit3A_68 : f32 to vector<8x1024xf32>
      %max3A_70 = arith.maximumf %max3A, %get3A_67 : vector<8x1024xf32>
      %min3A = vector.broadcast %jit3A_69 : f32 to vector<8x1024xf32>
      %min3A_71 = arith.minimumf %min3A, %max3A_70 : vector<8x1024xf32>
      %neg3A = arith.constant 0.000000e+00 : f32
      %neg3A_72 = vector.broadcast %neg3A : f32 to vector<8x1024xf32>
      %neg3A_73 = arith.subf %neg3A_72, %min3A_71 : vector<8x1024xf32>
      %exp3A = math.exp %neg3A_73 : vector<8x1024xf32>
      %add3A_74 = arith.constant 1.000000e+00 : f32
      %add3A_75 = vector.broadcast %add3A_74 : f32 to vector<8x1024xf32>
      %add3A_76 = arith.addf %add3A_75, %exp3A : vector<8x1024xf32>
      %div3A_77 = arith.constant 1.000000e+00 : f32
      %div3A_78 = vector.broadcast %div3A_77 : f32 to vector<8x1024xf32>
      %div3A_79 = arith.divf %div3A_78, %add3A_76 : vector<8x1024xf32>
      %log3A = math.log %add3A_76 : vector<8x1024xf32>
      %mul3A_80 = arith.mulf %min3A_71, %div3A_79 : vector<8x1024xf32>
      %sub3A_81 = arith.subf %mul3A_80, %min3A_71 : vector<8x1024xf32>
      %sub3A_82 = arith.subf %sub3A_81, %log3A : vector<8x1024xf32>
      %add3A_83 = arith.addf %scan3A_29, %sub3A_82 : vector<8x1024xf32>
      %jit3A_84 = arith.constant -6.000000e+01 : f32
      %jit3A_85 = arith.constant 6.000000e+01 : f32
      %max3A_86 = vector.broadcast %jit3A_84 : f32 to vector<8x1024xf32>
      %max3A_87 = arith.maximumf %max3A_86, %get3A_64 : vector<8x1024xf32>
      %min3A_88 = vector.broadcast %jit3A_85 : f32 to vector<8x1024xf32>
      %min3A_89 = arith.minimumf %min3A_88, %max3A_87 : vector<8x1024xf32>
      %neg3A_90 = arith.constant 0.000000e+00 : f32
      %neg3A_91 = vector.broadcast %neg3A_90 : f32 to vector<8x1024xf32>
      %neg3A_92 = arith.subf %neg3A_91, %min3A_89 : vector<8x1024xf32>
      %exp3A_93 = math.exp %neg3A_92 : vector<8x1024xf32>
      %add3A_94 = arith.constant 1.000000e+00 : f32
      %add3A_95 = vector.broadcast %add3A_94 : f32 to vector<8x1024xf32>
      %add3A_96 = arith.addf %add3A_95, %exp3A_93 : vector<8x1024xf32>
      %log3A_97 = math.log %add3A_96 : vector<8x1024xf32>
      %mul3A_98 = arith.mulf %get3A_64, %div3A_79 : vector<8x1024xf32>
      %sub3A_99 = arith.subf %mul3A_98, %min3A_89 : vector<8x1024xf32>
      %sub3A_100 = arith.subf %sub3A_99, %log3A_97 : vector<8x1024xf32>
      %add3A_101 = arith.addf %scan3A_28, %sub3A_100 : vector<8x1024xf32>
      scf.yield %add3A_101, %add3A_83 : vector<8x1024xf32>, vector<8x1024xf32>
    }
    %scan3A_14 = arith.constant 128 : i32
    %swap3A_15 = arith.constant 0 : index
    %swap3A_16 = arith.constant 0 : index
    %swap3A_17 = arith.constant 0 : index
    %swap3A_18 = vector.load %arg3[%swap3A_15, %swap3A_16, %swap3A_17] : memref<1x8x1024xf32, #tpu.memory_space<vmem>>, vector<1x8x1024xf32>
    %swap3A_19 = vector.shape_cast %swap3A_18 : vector<1x8x1024xf32> to vector<8x1024xf32>
    %swap3A_20 = vector.shape_cast %scan3A_13#0 : vector<8x1024xf32> to vector<1x8x1024xf32>
    tpu.vector_store %arg3[%swap3A_15, %swap3A_16, %swap3A_17], %swap3A_20 {strides = array<i32>} : memref<1x8x1024xf32, #tpu.memory_space<vmem>>, vector<1x8x1024xf32>,
    %swap3A_21 = arith.constant 0 : index
    %swap3A_22 = arith.constant 0 : index
    %swap3A_23 = arith.constant 0 : index
    %swap3A_24 = vector.load %arg4[%swap3A_21, %swap3A_22, %swap3A_23] : memref<1x8x1024xf32, #tpu.memory_space<vmem>>, vector<1x8x1024xf32>
    %swap3A_25 = vector.shape_cast %swap3A_24 : vector<1x8x1024xf32> to vector<8x1024xf32>
    %swap3A_26 = vector.shape_cast %scan3A_13#1 : vector<8x1024xf32> to vector<1x8x1024xf32>
    tpu.vector_store %arg4[%swap3A_21, %swap3A_22, %swap3A_23], %swap3A_26 {strides = array<i32>} : memref<1x8x1024xf32, #tpu.memory_space<vmem>>, vector<1x8x1024xf32>,
    return
  }
  func.func @transform_0(%arg0: i32) -> (i32, i32) {
    %c0_i32 = arith.constant 0 : i32
    %c0_i32_0 = arith.constant 0 : i32
    return %arg0, %c0_i32 : i32, i32
  }
  func.func @transform_1(%arg0: i32) -> (i32, i32) {
    %c0_i32 = arith.constant 0 : i32
    %c0_i32_0 = arith.constant 0 : i32
    return %arg0, %c0_i32 : i32, i32
  }
  func.func @transform_2(%arg0: i32) -> (i32, i32, i32) {
    %c0_i32 = arith.constant 0 : i32
    %c0_i32_0 = arith.constant 0 : i32
    %c0_i32_1 = arith.constant 0 : i32
    return %arg0, %c0_i32, %c0_i32_0 : i32, i32, i32
  }
  func.func @transform_3(%arg0: i32) -> (i32, i32, i32) {
    %c0_i32 = arith.constant 0 : i32
    %c0_i32_0 = arith.constant 0 : i32
    %c0_i32_1 = arith.constant 0 : i32
    return %arg0, %c0_i32, %c0_i32_0 : i32, i32, i32
  }
  func.func @transform_4(%arg0: i32) -> i32 {
    %c0_i32 = arith.constant 0 : i32
    return %arg0 : i32
  }
  func.func @transform_5(%arg0: i32) -> i32 {
    %c0_i32 = arith.constant 0 : i32
    return %arg0 : i32
  }
}

</mosaic_0001>

<sc_bundles>
// kernel: kernel.6.cloned.1.call-start
scs
__scs_entry_jumppad:
0x0: {  	(pc) =	sbr.rel $0x88, $3  }
0x1: {  	(tag) =	ssettag $0x0;
	lr =	simm.s32 $0x1  }
0x2: {  	[smem:$0x3F9C] =	sst lr;
	_ =	strace $0xD0000000  }
0x3: {  	_ = 	snop  }
0x4: {  	_ = 	snop  }
0x5: {  	_ = 	snop  }
0x6: {  	_ = 	snop  }
0x7: {  	_ = 	snop  }
__scs_overlays_trampoline_lowered:
0x8: {  	[smem:$0x3FAB] =	sst s0  }
0x9: {  	[smem:$0x3FAC] =	sst s1  }
0xa: {  	[smem:$0x3FAD] =	sst s2  }
0xb: {  	[smem:$0x3FAE] =	sst s3  }
0xc: {  	[smem:$0x3FAF] =	sst s4  }
0xd: {  	[smem:$0x3FB0] =	sst s5  }
0xe: {  	[smem:$0x3FB1] =	sst s6  }
0xf: {  	[smem:$0x3FB2] =	sst s7  }
0x10: {  	[smem:$0x3FB3] =	sst s8  }
0x11: {  	[smem:$0x3FB4] =	sst s9;
	s0 =	simm.s32 @!p0 $0x0  }
0x12: {  	s1 =	sld [smem:$0x3F9A];
	s0 =	simm.s32 @p0 $0x1  }
0x13: {  	[smem:$0x3FB5] =	sst s0;
	s0 =	simm.s32 @!p1 $0x0  }
0x14: {  	s2 =	sld [smem:$0x3F99];
	s0 =	simm.s32 @p1 $0x1  }
0x15: {  	[smem:$0x3FB6] =	sst s0;
	s0 =	simm.s32 @!p2 $0x0  }
0x16: {  	s3 =	sld [smem:$0x3FDB];
	s0 =	simm.s32 @p2 $0x1  }
0x17: {  	s4 =	simm.s32 $0x1BF5;
	[smem:$0x3FB8] =	sst s0  }
0x18: {  	s0 =	sld [smem:$0x3F9B];
	_ =	swait.ge [sflag:s4], $0x0  }
0x19: {  	s7 =	sld [smem:$0x3F9C]  }
0x1a: {  	s8 =	sadd.s32 $0xFFFFE003, lr  }
0x1b: {  	s9 =	sadd.s32 $0xFFFFFEF7, lr;
	s5 =	simm.s32 $0xFFFFFFFF;
	p2 =	slt.u32 s8, $0xFFFFF086  }
0x1c: {  	p1 =	slt.u32 s9, $0xF7A;
	s5 =	simm.s32 @!p2 $0x0  }
0x1d: {  	s5 =	simm.s32 @p1 $0x1;
	p0 =	seq.s32 s7, s2  }
0x1e: {  	s7 =	smul.u32 @!p0 $0xF7A, s2;
	p2 =	seq.s32 @!p0 s5, $0x0  }
0x1f: {  	s9 =	smul.u32 $0xF7A, s1;
	s8 =	simm.s32 @!p0 $0x1BF5;
	p2 =	por !p2, p0  }
0x20: {  	[sflag:s8] =	ssyncset.s32 @!p0 $0xFFFFF086;
	s6 =	sadd.s32 @!p0 s3, s7;
	s7 =	simm.s32 @!p0 $0x108  }
0x21: {  	s3 =	sadd.s32 s3, s9;
	s6 =	sadd.s32 @!p0 $0x88, s6;
	s7 =	simm.s32 @p2 $0x1082  }
0x22: {  	[simem:s7], [sflag:s8] =	dma.local @!p0 [hbm:s6], $0xF7A  }
0x23: {  	s9 =	sor.u32 $0xD0000000, s2;
	s6 =	simm.s32 $0x108;
	_ =	swait.ge @!p0 [sflag:s8], $0x0  }
0x24: {  	s3 =	sadd.s32 $0x88, s3;
	s6 =	simm.s32 @!p1 $0x1082;
	[sflag:s4] =	ssyncset.s32 $0xFFFFF086  }
0x25: {  	[simem:s6], [sflag:s4] =	dma.local [hbm:s3], $0xF7A  }
0x26: {  	[smem:$0x3F9C] =	sst s1;
	(tag) =	ssettag s2;
	_ =	strace s9  }
0x27: {  	s1 =	sld [smem:$0x3FAC]  }
0x28: {  	s2 =	sld [smem:$0x3FAD]  }
0x29: {  	s4 =	sld [smem:$0x3FAF]  }
0x2a: {  	p0 =	seq.s32 s5, $0x0;
	s5 =	sld [smem:$0x3FB0]  }
0x2b: {  	s6 =	sld [smem:$0x3FB1]  }
0x2c: {  	s7 =	sld [smem:$0x3FB2]  }
0x2d: {  	s3 =	simm.s32 $0x108;
	s8 =	sld [smem:$0x3FB3]  }
0x2e: {  	s3 =	simm.s32 @!p0 $0x1082;
	s9 =	sld [smem:$0x3FB4]  }
0x2f: {  	lr =	sadd.s32 s0, s3;
	s0 =	sld [smem:$0x3FAB]  }
0x30: {  	s3 =	sld [smem:$0x3FAE]  }
0x31: {  	[smem:$0x3FB7] =	sst s10  }
0x32: {  	s10 =	sld [smem:$0x3FB5];
	_ =	sdelay $0x3  }
0x33: {  	p0 =	seq.s32 s10, $0x1;
	s10 =	sld [smem:$0x3FB7];
	_ =	sdelay $0x3  }
0x34: {  	[smem:$0x3FB7] =	sst s10  }
0x35: {  	s10 =	sld [smem:$0x3FB6];
	_ =	sdelay $0x3  }
0x36: {  	p1 =	seq.s32 s10, $0x1;
	s10 =	sld [smem:$0x3FB7];
	_ =	sdelay $0x3  }
0x37: {  	[smem:$0x3FB7] =	sst s10  }
0x38: {  	s10 =	sld [smem:$0x3FB8]  }
0x39: {  	_ = 	snop;
	(pc) =	sbr.ind lr, $3  }
0x3a: {  	_ = 	snop  }
0x3b: {  	_ = 	snop  }
0x3c: {  	p2 =	seq.s32 s10, $0x1;
	s10 =	sld [smem:$0x3FB7]  }
0x3d: {  	_ =	shalt  }
0x3e: {  	_ =	shalt  }
0x3f: {  	_ =	shalt  }
0x40: {  	_ =	shalt  }
0x41: {  	_ =	shalt  }
0x42: {  	_ =	shalt  }
0x43: {  	_ =	shalt  }
0x44: {  	_ =	shalt  }
0x45: {  	_ =	shalt  }
0x46: {  	_ =	shalt  }
0x47: {  	_ =	shalt  }
0x48: {  	_ =	shalt  }
0x49: {  	_ =	shalt  }
0x4a: {  	_ =	shalt  }
0x4b: {  	_ =	shalt  }
0x4c: {  	_ =	shalt  }
0x4d: {  	_ =	shalt  }
0x4e: {  	_ =	shalt  }
0x4f: {  	_ =	shalt  }
0x50: {  	_ =	shalt  }
0x51: {  	_ =	shalt  }
0x52: {  	_ =	shalt  }
0x53: {  	_ =	shalt  }
0x54: {  	_ =	shalt  }
0x55: {  	_ =	shalt  }
0x56: {  	_ =	shalt  }
0x57: {  	_ =	shalt  }
0x58: {  	_ =	shalt  }
0x59: {  	_ =	shalt  }
0x5a: {  	_ =	shalt  }
0x5b: {  	_ =	shalt  }
0x5c: {  	_ =	shalt  }
0x5d: {  	_ =	shalt  }
0x5e: {  	_ =	shalt  }
0x5f: {  	_ =	shalt  }
0x60: {  	_ =	shalt  }
0x61: {  	_ =	shalt  }
0x62: {  	_ =	shalt  }
0x63: {  	_ =	shalt  }
0x64: {  	_ =	shalt  }
0x65: {  	_ =	shalt  }
0x66: {  	_ =	shalt  }
0x67: {  	_ =	shalt  }
0x68: {  	_ =	shalt  }
0x69: {  	_ =	shalt  }
0x6a: {  	_ =	shalt  }
0x6b: {  	_ =	shalt  }
0x6c: {  	_ =	shalt  }
0x6d: {  	_ =	shalt  }
0x6e: {  	_ =	shalt  }
0x6f: {  	_ =	shalt  }
0x70: {  	_ =	shalt  }
0x71: {  	_ =	shalt  }
0x72: {  	_ =	shalt  }
0x73: {  	_ =	shalt  }
0x74: {  	_ =	shalt  }
0x75: {  	_ =	shalt  }
0x76: {  	_ =	shalt  }
0x77: {  	_ =	shalt  }
0x78: {  	_ =	shalt  }
0x79: {  	_ =	shalt  }
0x7a: {  	_ =	shalt  }
0x7b: {  	_ =	shalt  }
0x7c: {  	_ =	shalt  }
0x7d: {  	_ =	shalt  }
0x7e: {  	_ =	shalt  }
0x7f: {  	_ =	shalt  }
0x80: {  	_ =	shalt  }
0x81: {  	_ =	shalt  }
0x82: {  	_ =	shalt  }
0x83: {  	_ =	shalt  }
0x84: {  	_ =	shalt  }
0x85: {  	_ =	shalt  }
0x86: {  	_ =	shalt  }
0x87: {  	_ =	shalt  }
.Lfunc_end0:
.L_simem_size_0:
called_computation_lowered:
.L_overlay_start_0:
0x88: {  	s2 =	sld [smem:$0x3FD9]  }
0x89: {  	s3 =	sld [smem:$0x3FFE];
	_ =	sdelay $0x1  }
0x8a: {  	s1 =	srdreg.scid  }
0x8b: {  	s0 =	sand.u32 $0x1, s1  }
0x8c: {  	s16 =	sshll.u32 s0, $0xA;
	s2 =	sadd.s32 s3, s2  }
0x8d: {  	s2 =	sadd.s32 s2, s16  }
0x8e: {  	[smem:$0x3FC3] =	sst s2  }
0x8f: {  	_ = 	snop  }
0x90: {  	(tm) =	ssettm $0x1  }
0x91: {  	s17 =	sld [smem:$0x3FFB];
	_ =	sdelay $0x3  }
0x92: {  	_ =	strace s17  }
0x93: {  	s2 =	sld [smem:$0x3FFC];
	_ =	sdelay $0x3  }
0x94: {  	_ =	strace s2  }
0x95: {  	s2 =	sld [smem:$0x3FFD];
	_ =	sdelay $0x3  }
0x96: {  	_ =	strace s2  }
0x97: {  	_ =	strace $0x8FFFFFFF  }
0x98: {  	s18 =	sld [smem:$0x3FDB];
	_ =	sdelay $0x1  }
0x99: {  	s19 =	simm.s32 $_scs_section_size  }
0x9a: {  	s4 =	simm.s32 $_size__tile_overlayer_lowered;
	s5 =	simm.s32 $_tile_overlayer_lowered  }
0x9b: {  	s22 =	simm.s32 $0x1BFF;
	s21 =	sshll.u32 s5, $0x1;
	s2 =	sadd.s32 s19, s18  }
0x9c: {  	s6 =	simm.s32 $0x0;
	s20 =	sshll.u32 s4, $0x1;
	s4 =	sadd.s32 s21, s2  }
0x9d: {  	[timem:s6], [sflag:s22] =	dma.local [hbm:s4], s20  }
0x9e: {  	_ =	swait.ge [sflag:s22], s20  }
0x9f: {  	s3 =	ssub.s32 $0x0, s20;
	[sflag:s22] =	ssyncset.done $0x0  }
0xa0: {  	[sflag:s22] =	ssyncadd.s32 s3;
	_ =	sdelay $0x1  }
0xa1: {  	s23 =	simm.s32 $0x1B8B  }
0xa2: {  	_ =	swait.ge [sflag:s23], $0x1  }
0xa3: {  	[sflag:s23] =	ssyncset.done $0x0  }
0xa4: {  	s25 =	simm.s32 $0x1B8E;
	s24 =	sld [smem:$0x3FFE];
	[sflag:s23] =	ssyncadd.s32 $0xFFFFFFFF  }
0xa5: {  	s26 =	simm.s32 $execute0_lowered;
	[smem:$0x3FD2] =	sst s25  }
0xa6: {  	s4 =	sshll.u32 s26, $0x1;
	_ =	strace $0x80000046;
	[dreg:$0x1] =	wrdreg $0xFFFFFFFF  }
0xa7: {  	s28 =	simm.s32 $_size_execute0_lowered;
	s2 =	sadd.s32 s2, s4;
	[dreg:$0x0] =	wrdreg $0x0  }
0xa8: {  	s4 =	sshll.u32 s28, $0x1;
	[dreg:$0x2] =	wrdreg s2  }
0xa9: {  	[dreg:$0x3] =	wrdreg s4  }
0xaa: {  	[dreg:$0x4] =	wrdreg $0xC0  }
0xab: {  	_ =	task [dreg:s6], $0x5FFFF  }
0xac: {  	[dreg:$0x1] =	wrdreg $0xFFFFFFFF  }
0xad: {  	[dreg:$0x0] =	wrdreg $0x60  }
0xae: {  	[dreg:$0x2] =	wrdreg s24  }
0xaf: {  	[dreg:$0x3] =	wrdreg $0x9  }
0xb0: {  	_ =	task.clear_ibuf [dreg:s6], $0x4FFFF;
	_ =	strace $0x90000046  }
0xb1: {  	s29 =	simm.s32 $0x9;
	_ =	strace $0x80000048  }
0xb2: {  	_ =	swait.ge [sflag:s29], $0x1  }
0xb3: {  	[sflag:s29] =	ssyncadd.s32 $0xFFFFFFFF  }
0xb4: {  	_ =	strace $0x90000048  }
0xb5: {  	_ =	sfence  }
0xb6: {  	s30 =	sld [smem:$0x0];
	_ =	sdelay $0x2  }
0xb7: {  	s31 =	sshll.u32 s1, $0xD;
	s1 =	sshrl.u32 s1, $0x2  }
0xb8: {  	s3 =	sand.u32 $0x4000, s31;
	s1 =	sadd.s32 s1, s30  }
0xb9: {  	s0 =	sor.u32 s3, s0;
	s1 =	sshll.u32 s1, $0x11  }
0xba: {  	s0 =	sor.u32 s1, s0  }
0xbb: {  	s0 =	sadd.s32 $0x8F2B, s0  }
0xbc: {  	[sflag:s0] =	ssyncadd.remote.s32 $0x1  }
0xbd: {  	_ =	sfence.sel $0xFFFF  }
0xbe: {  	[dreg:$0x0] =	wrdreg $0xFFFFFFFF;
	(pc) =	sbr.abs _section_cstart, $3  }
0xbf: {  	[dreg:$0x1] =	wrdreg $0xFFFFFFFF  }
0xc0: {  	_ =	task.clear_ibuf [dreg:s6], $0x2FFFF;
	_ =	strace $0x9FFFFFFF  }
0xc1: {  	(tm) =	ssettm $0x7FFFFFFF  }
tec
execute0_lowered:
.L_overlay_start_1:
0x0: {  	(tag) =	ssettag $0x1  }
0x1: {  	s7 =	rddreg [dreg:$0x0]  }
0x2: {  	s0 =	rddreg [dreg:$0x1];
	s2 =	simm.s32 $0x0;
	s3 =	srdreg.scid  }
0x3: {  	s1 =	stileid.u32;
	s13 =	simm.s32 $0x3;
	s14 =	simm.s32 $0x800  }
0x4: {  	s15 =	simm.s32 $0x1000;
	s16 =	simm.s32 $0x1800;
	s17 =	simm.s32 $0x2000  }
0x5: {  	s18 =	simm.s32 $0x2800;
	s19 =	simm.s32 $0x2;
	s20 =	simm.s32 $0x1  }
0x6: {  	s21 =	simm.s32 $0x0;
	[smem:$0x7FF] =	sst s2;
	s5 =	sand.u32 $0x1, s3  }
0x7: {  	s4 =	sshll.u32 s1, $0xC;
	s3 =	sadd.s32 $0x6200, s7;
	s6 =	sshll.u32 s5, $0xB  }
0x8: {  	_ =	strace $0x80000047;
	s8 =	ssub.s32 $0x2, s5;
	s4 =	sor.u32 s6, s4  }
0x9: {  	s5 =	sadd.s32 $0x206200, s7;
	s10 =	sshrl.u32 s8, $0x1;
	s9 =	sshrl.u32 s4, $0x3  }
0xa: {  	s6 =	sadd.s32 $0x40E200, s7;
	s12 =	ssub.s32 s8, s10;
	s11 =	sadd.s32 s9, s7  }
0xb: {  	s12 =	smax.u32 s12, $0x1;
	s7 =	sadd.s32 $0x4200, s11;
	s9 =	sadd.s32 $0x60E200, s11  }
0xc: {  	v0 =	vlaneseq.u32;
	s8 =	sadd.s32 $0x2200, s11;
	s10 =	sadd.s32 $0x610200, s11;
	s11 =	sadd.s32 $0x612200, s11  }
.LBB2_1:
0xd: {  	[tilespmem:s2], [sflag:$0x3] =	stream.linear.gather [hbm4b:s7+s2], $0x800, $0x38;
	[tilespmem:$0x3000] =	vst v63  }
0xe: {  	_ =	swait.ge [sflag:s13], $0x800  }
0xf: {  	[sflag:s13] =	ssyncset.done $0x0  }
0x10: {  	[sflag:s13] =	ssyncadd.s32 $0xFFFFF800  }
0x11: {  	[tilespmem:s14], [sflag:$0x3] =	stream.linear.gather [hbm4b:s8+s2], $0x800, $0x38;
	[tilespmem:$0x3000] =	vst v63  }
0x12: {  	_ =	swait.ge [sflag:s13], $0x800  }
0x13: {  	[sflag:s13] =	ssyncset.done $0x0  }
0x14: {  	s22 =	simm.s32 $0x0;
	[sflag:s13] =	ssyncadd.s32 $0xFFFFF800  }
0x15: {  	v2 =	vor.u32 s4, v0;
	v1 =	vld [tilespmem:s22+$0x0]  }
0x16: {  	[tilespmem:s22+$0x1800] =	vst v2;
	v2 =	vld [tilespmem:s22+$0x800];
	_ =	sdelay $0x2  }
0x17: {  	s23 =	simm.s32 $0x40;
	s24 =	sadd.s32 $0x10, s4  }
.LBB2_2:
0x18: {  	s25 =	sshra.s32 s23, $0x2;
	v3 =	vor.u32 s24, v0;
	p0 =	sne.s32 s23, $0x1FC0;
	s23 =	sadd.s32 $0x40, s23;
	v4 =	vshll.u32 v1, $0xC  }
.Ltmp0:
0x19: {  	v1 =	vld [tilespmem:s25+$0x0];
	[tilespmem:s25+$0x1800] =	vst v3;
	v3 =	vadd.s32 v2, v4;
	(pc) =	sbr.rel @p0 .LBB2_2-.Ltmp0, $2  }
0x1a: {  	v2 =	vld [tilespmem:s25+$0x800];
	[tilespmem:s22+$0x1000] =	vst v3;
	s22 =	smov.u32 s25;
	_ =	sdelay $0x2  }
0x1b: {  	s24 =	sadd.s32 $0x10, s24  }
0x1c: {  	v1 =	vshll.u32 v1, $0xC  }
0x1d: {  	v1 =	vadd.s32 v2, v1  }
0x1e: {  	[tilespmem:s22+$0x1000] =	vst v1  }
0x1f: {  	[hbm4b:s9+s2] =	stream.linear.scatter [tilespmem:s15], [sflag:$0x3], $0x800, $0x38;
	[tilespmem:$0x3000] =	vst v63  }
0x20: {  	_ =	swait.ge [sflag:s13], $0x800  }
0x21: {  	[sflag:s13] =	ssyncset.done $0x0  }
0x22: {  	[sflag:s13] =	ssyncadd.s32 $0xFFFFF800  }
0x23: {  	[hbm4b:s6+s14] =	stream.indirect.scatter [tilespmem:s16], [sflag:$0x1], $0x1, s15, s14, $0xb8;
	[tilespmem:$0x3000] =	vst v63  }
0x24: {  	_ = 	snop  }
0x25: {  	[tilespmem:s17], [sflag:$0x2] =	stream.indirect.gather [hbm4b:s3+s14], $0x1, s15, s14, $0xb8;
	[tilespmem:$0x3000] =	vst v63  }
0x26: {  	_ = 	snop  }
0x27: {  	[tilespmem:s18], [sflag:$0x2] =	stream.indirect.gather [hbm4b:s5+s14], $0x1, s15, s14, $0xb8;
	[tilespmem:$0x3000] =	vst v63  }
0x28: {  	_ =	swait.ge [sflag:s19], $0x800  }
0x29: {  	[sflag:s19] =	ssyncset.done $0x0  }
0x2a: {  	[sflag:s19] =	ssyncadd.s32 $0xFFFFF800  }
0x2b: {  	_ =	swait.ge [sflag:s19], $0x800  }
0x2c: {  	[sflag:s19] =	ssyncset.done $0x0  }
0x2d: {  	[sflag:s19] =	ssyncadd.s32 $0xFFFFF800  }
0x2e: {  	[hbm4b:s10+s2] =	stream.linear.scatter [tilespmem:s17], [sflag:$0x3], $0x800, $0x38;
	[tilespmem:$0x3000] =	vst v63  }
0x2f: {  	_ =	swait.ge [sflag:s13], $0x800  }
0x30: {  	[sflag:s13] =	ssyncset.done $0x0  }
0x31: {  	s21 =	sadd.s32 $0x1, s21;
	[sflag:s13] =	ssyncadd.s32 $0xFFFFF800  }
0x32: {  	[hbm4b:s11+s2] =	stream.linear.scatter [tilespmem:s18], [sflag:$0x3], $0x800, $0x38;
	[tilespmem:$0x3000] =	vst v63  }
0x33: {  	p0 =	sne.s32 s21, s12;
	_ =	swait.ge [sflag:s13], $0x800  }
.Ltmp1:
0x34: {  	[sflag:s13] =	ssyncset.done $0x0;
	(pc) =	sbr.rel @p0 .LBB2_1-.Ltmp1, $4  }
0x35: {  	[sflag:s13] =	ssyncadd.s32 $0xFFFFF800  }
0x36: {  	_ =	swait.ge [sflag:s20], $0x800  }
0x37: {  	[sflag:s20] =	ssyncset.done $0x0  }
0x38: {  	[sflag:s20] =	ssyncadd.s32 $0xFFFFF800  }
0x39: {  	_ =	sfence.sel $0x180000  }
0x3a: {  	[bflag:$0x0] =	sbarrier.arrive $0xFFFF  }
0x3b: {  	p0 =	sne.s32 s1, $0x0;
	_ =	strace $0x90000047  }
0x3c: {  	s0 =	sadd.s32 @!p0 $0x100000, s0;
	[bflag:$0x2] =	sbarrier.arrive $0xFFFF  }
0x3d: {  	[sflag:s0] =	ssyncadd.tile.s32 @!p0 $0x1;
	_ =	shalt  }
.Lfunc_end2:
_tile_overlayer_lowered:
.L_overlay_start_2:
0x3e: {  	(tag) =	ssettag $0x2  }
0x3f: {  	s0 =	rddreg [dreg:$0x0];
	s2 =	stileid.u32  }
0x40: {  	s1 =	rddreg [dreg:$0x1];
	p0 =	sne.s32 s2, $0x0  }
0x41: {  	s3 =	rddreg [dreg:$0x2];
	[bflag:$0x3] =	sbarrier.arrive $0xFFFF;
	s2 =	simm.s32 @!p0 $0x1C03  }
0x42: {  	[timem:s3], [sflag:s2] =	dma.local @!p0 [hbm:s0], s1  }
0x43: {  	s0 =	simm.s32 @!p0 $0x3  }
0x44: {  	_ =	swait.ge @!p0 [sflag:s0], s1  }
0x45: {  	s1 =	ssub.s32 @!p0 $0x0, s1;
	[sflag:s0] =	ssyncset.done @!p0 $0x0  }
0x46: {  	[sflag:s0] =	ssyncadd.s32 @!p0 s1  }
0x47: {  	[bflag:$0x3] =	sbarrier.arrive $0xFFFF  }
0x48: {  	_ =	shalt  }

// kernel: kernel.9.cloned.1.call-start
scs
__scs_entry_jumppad:
0x0: {  	(pc) =	sbr.rel $0x88, $3  }
0x1: {  	(tag) =	ssettag $0x0;
	lr =	simm.s32 $0x1  }
0x2: {  	[smem:$0x3F9C] =	sst lr;
	_ =	strace $0xD0000000  }
0x3: {  	_ = 	snop  }
0x4: {  	_ = 	snop  }
0x5: {  	_ = 	snop  }
0x6: {  	_ = 	snop  }
0x7: {  	_ = 	snop  }
__scs_overlays_trampoline_lowered:
0x8: {  	[smem:$0x3FAB] =	sst s0  }
0x9: {  	[smem:$0x3FAC] =	sst s1  }
0xa: {  	[smem:$0x3FAD] =	sst s2  }
0xb: {  	[smem:$0x3FAE] =	sst s3  }
0xc: {  	[smem:$0x3FAF] =	sst s4  }
0xd: {  	[smem:$0x3FB0] =	sst s5  }
0xe: {  	[smem:$0x3FB1] =	sst s6  }
0xf: {  	[smem:$0x3FB2] =	sst s7  }
0x10: {  	[smem:$0x3FB3] =	sst s8  }
0x11: {  	[smem:$0x3FB4] =	sst s9;
	s0 =	simm.s32 @!p0 $0x0  }
0x12: {  	s1 =	sld [smem:$0x3F9A];
	s0 =	simm.s32 @p0 $0x1  }
0x13: {  	[smem:$0x3FB5] =	sst s0;
	s0 =	simm.s32 @!p1 $0x0  }
0x14: {  	s2 =	sld [smem:$0x3F99];
	s0 =	simm.s32 @p1 $0x1  }
0x15: {  	[smem:$0x3FB6] =	sst s0;
	s0 =	simm.s32 @!p2 $0x0  }
0x16: {  	s3 =	sld [smem:$0x3FDB];
	s0 =	simm.s32 @p2 $0x1  }
0x17: {  	s4 =	simm.s32 $0x1BF5;
	[smem:$0x3FB8] =	sst s0  }
0x18: {  	s0 =	sld [smem:$0x3F9B];
	_ =	swait.ge [sflag:s4], $0x0  }
0x19: {  	s7 =	sld [smem:$0x3F9C]  }
0x1a: {  	s8 =	sadd.s32 $0xFFFFE003, lr  }
0x1b: {  	s9 =	sadd.s32 $0xFFFFFEF7, lr;
	s5 =	simm.s32 $0xFFFFFFFF;
	p2 =	slt.u32 s8, $0xFFFFF086  }
0x1c: {  	p1 =	slt.u32 s9, $0xF7A;
	s5 =	simm.s32 @!p2 $0x0  }
0x1d: {  	s5 =	simm.s32 @p1 $0x1;
	p0 =	seq.s32 s7, s2  }
0x1e: {  	s7 =	smul.u32 @!p0 $0xF7A, s2;
	p2 =	seq.s32 @!p0 s5, $0x0  }
0x1f: {  	s9 =	smul.u32 $0xF7A, s1;
	s8 =	simm.s32 @!p0 $0x1BF5;
	p2 =	por !p2, p0  }
0x20: {  	[sflag:s8] =	ssyncset.s32 @!p0 $0xFFFFF086;
	s6 =	sadd.s32 @!p0 s3, s7;
	s7 =	simm.s32 @!p0 $0x108  }
0x21: {  	s3 =	sadd.s32 s3, s9;
	s6 =	sadd.s32 @!p0 $0x88, s6;
	s7 =	simm.s32 @p2 $0x1082  }
0x22: {  	[simem:s7], [sflag:s8] =	dma.local @!p0 [hbm:s6], $0xF7A  }
0x23: {  	s9 =	sor.u32 $0xD0000000, s2;
	s6 =	simm.s32 $0x108;
	_ =	swait.ge @!p0 [sflag:s8], $0x0  }
0x24: {  	s3 =	sadd.s32 $0x88, s3;
	s6 =	simm.s32 @!p1 $0x1082;
	[sflag:s4] =	ssyncset.s32 $0xFFFFF086  }
0x25: {  	[simem:s6], [sflag:s4] =	dma.local [hbm:s3], $0xF7A  }
0x26: {  	[smem:$0x3F9C] =	sst s1;
	(tag) =	ssettag s2;
	_ =	strace s9  }
0x27: {  	s1 =	sld [smem:$0x3FAC]  }
0x28: {  	s2 =	sld [smem:$0x3FAD]  }
0x29: {  	s4 =	sld [smem:$0x3FAF]  }
0x2a: {  	p0 =	seq.s32 s5, $0x0;
	s5 =	sld [smem:$0x3FB0]  }
0x2b: {  	s6 =	sld [smem:$0x3FB1]  }
0x2c: {  	s7 =	sld [smem:$0x3FB2]  }
0x2d: {  	s3 =	simm.s32 $0x108;
	s8 =	sld [smem:$0x3FB3]  }
0x2e: {  	s3 =	simm.s32 @!p0 $0x1082;
	s9 =	sld [smem:$0x3FB4]  }
0x2f: {  	lr =	sadd.s32 s0, s3;
	s0 =	sld [smem:$0x3FAB]  }
0x30: {  	s3 =	sld [smem:$0x3FAE]  }
0x31: {  	[smem:$0x3FB7] =	sst s10  }
0x32: {  	s10 =	sld [smem:$0x3FB5];
	_ =	sdelay $0x3  }
0x33: {  	p0 =	seq.s32 s10, $0x1;
	s10 =	sld [smem:$0x3FB7];
	_ =	sdelay $0x3  }
0x34: {  	[smem:$0x3FB7] =	sst s10  }
0x35: {  	s10 =	sld [smem:$0x3FB6];
	_ =	sdelay $0x3  }
0x36: {  	p1 =	seq.s32 s10, $0x1;
	s10 =	sld [smem:$0x3FB7];
	_ =	sdelay $0x3  }
0x37: {  	[smem:$0x3FB7] =	sst s10  }
0x38: {  	s10 =	sld [smem:$0x3FB8]  }
0x39: {  	_ = 	snop;
	(pc) =	sbr.ind lr, $3  }
0x3a: {  	_ = 	snop  }
0x3b: {  	_ = 	snop  }
0x3c: {  	p2 =	seq.s32 s10, $0x1;
	s10 =	sld [smem:$0x3FB7]  }
0x3d: {  	_ =	shalt  }
0x3e: {  	_ =	shalt  }
0x3f: {  	_ =	shalt  }
0x40: {  	_ =	shalt  }
0x41: {  	_ =	shalt  }
0x42: {  	_ =	shalt  }
0x43: {  	_ =	shalt  }
0x44: {  	_ =	shalt  }
0x45: {  	_ =	shalt  }
0x46: {  	_ =	shalt  }
0x47: {  	_ =	shalt  }
0x48: {  	_ =	shalt  }
0x49: {  	_ =	shalt  }
0x4a: {  	_ =	shalt  }
0x4b: {  	_ =	shalt  }
0x4c: {  	_ =	shalt  }
0x4d: {  	_ =	shalt  }
0x4e: {  	_ =	shalt  }
0x4f: {  	_ =	shalt  }
0x50: {  	_ =	shalt  }
0x51: {  	_ =	shalt  }
0x52: {  	_ =	shalt  }
0x53: {  	_ =	shalt  }
0x54: {  	_ =	shalt  }
0x55: {  	_ =	shalt  }
0x56: {  	_ =	shalt  }
0x57: {  	_ =	shalt  }
0x58: {  	_ =	shalt  }
0x59: {  	_ =	shalt  }
0x5a: {  	_ =	shalt  }
0x5b: {  	_ =	shalt  }
0x5c: {  	_ =	shalt  }
0x5d: {  	_ =	shalt  }
0x5e: {  	_ =	shalt  }
0x5f: {  	_ =	shalt  }
0x60: {  	_ =	shalt  }
0x61: {  	_ =	shalt  }
0x62: {  	_ =	shalt  }
0x63: {  	_ =	shalt  }
0x64: {  	_ =	shalt  }
0x65: {  	_ =	shalt  }
0x66: {  	_ =	shalt  }
0x67: {  	_ =	shalt  }
0x68: {  	_ =	shalt  }
0x69: {  	_ =	shalt  }
0x6a: {  	_ =	shalt  }
0x6b: {  	_ =	shalt  }
0x6c: {  	_ =	shalt  }
0x6d: {  	_ =	shalt  }
0x6e: {  	_ =	shalt  }
0x6f: {  	_ =	shalt  }
0x70: {  	_ =	shalt  }
0x71: {  	_ =	shalt  }
0x72: {  	_ =	shalt  }
0x73: {  	_ =	shalt  }
0x74: {  	_ =	shalt  }
0x75: {  	_ =	shalt  }
0x76: {  	_ =	shalt  }
0x77: {  	_ =	shalt  }
0x78: {  	_ =	shalt  }
0x79: {  	_ =	shalt  }
0x7a: {  	_ =	shalt  }
0x7b: {  	_ =	shalt  }
0x7c: {  	_ =	shalt  }
0x7d: {  	_ =	shalt  }
0x7e: {  	_ =	shalt  }
0x7f: {  	_ =	shalt  }
0x80: {  	_ =	shalt  }
0x81: {  	_ =	shalt  }
0x82: {  	_ =	shalt  }
0x83: {  	_ =	shalt  }
0x84: {  	_ =	shalt  }
0x85: {  	_ =	shalt  }
0x86: {  	_ =	shalt  }
0x87: {  	_ =	shalt  }
.Lfunc_end0:
.L_simem_size_0:
called_computation.1_lowered:
.L_overlay_start_0:
0x88: {  	s2 =	sld [smem:$0x3FD9]  }
0x89: {  	s3 =	sld [smem:$0x3FFE];
	_ =	sdelay $0x1  }
0x8a: {  	s1 =	srdreg.scid  }
0x8b: {  	s0 =	sand.u32 $0x1, s1  }
0x8c: {  	s16 =	sshll.u32 s0, $0xA;
	s2 =	sadd.s32 s3, s2  }
0x8d: {  	s2 =	sadd.s32 s2, s16  }
0x8e: {  	[smem:$0x3FC3] =	sst s2  }
0x8f: {  	_ = 	snop  }
0x90: {  	(tm) =	ssettm $0x1  }
0x91: {  	s17 =	sld [smem:$0x3FFB];
	_ =	sdelay $0x3  }
0x92: {  	_ =	strace s17  }
0x93: {  	s2 =	sld [smem:$0x3FFC];
	_ =	sdelay $0x3  }
0x94: {  	_ =	strace s2  }
0x95: {  	s2 =	sld [smem:$0x3FFD];
	_ =	sdelay $0x3  }
0x96: {  	_ =	strace s2  }
0x97: {  	_ =	strace $0x8FFFFFFF  }
0x98: {  	s18 =	sld [smem:$0x3FDB];
	_ =	sdelay $0x1  }
0x99: {  	s19 =	simm.s32 $_scs_section_size  }
0x9a: {  	s4 =	simm.s32 $_size__tile_overlayer_lowered;
	s5 =	simm.s32 $_tile_overlayer_lowered  }
0x9b: {  	s22 =	simm.s32 $0x1BFF;
	s21 =	sshll.u32 s5, $0x1;
	s2 =	sadd.s32 s19, s18  }
0x9c: {  	s6 =	simm.s32 $0x0;
	s20 =	sshll.u32 s4, $0x1;
	s4 =	sadd.s32 s21, s2  }
0x9d: {  	[timem:s6], [sflag:s22] =	dma.local [hbm:s4], s20  }
0x9e: {  	_ =	swait.ge [sflag:s22], s20  }
0x9f: {  	s3 =	ssub.s32 $0x0, s20;
	[sflag:s22] =	ssyncset.done $0x0  }
0xa0: {  	[sflag:s22] =	ssyncadd.s32 s3;
	_ =	sdelay $0x1  }
0xa1: {  	s23 =	simm.s32 $0x1B8B  }
0xa2: {  	_ =	swait.ge [sflag:s23], $0x1  }
0xa3: {  	[sflag:s23] =	ssyncset.done $0x0  }
0xa4: {  	s25 =	simm.s32 $0x1B8E;
	s24 =	sld [smem:$0x3FFE];
	[sflag:s23] =	ssyncadd.s32 $0xFFFFFFFF  }
0xa5: {  	s26 =	simm.s32 $execute0_lowered;
	[smem:$0x3FD2] =	sst s25  }
0xa6: {  	s4 =	sshll.u32 s26, $0x1;
	_ =	strace $0x80000049;
	[dreg:$0x1] =	wrdreg $0xFFFFFFFF  }
0xa7: {  	s28 =	simm.s32 $_size_execute0_lowered;
	s2 =	sadd.s32 s2, s4;
	[dreg:$0x0] =	wrdreg $0x0  }
0xa8: {  	s4 =	sshll.u32 s28, $0x1;
	[dreg:$0x2] =	wrdreg s2  }
0xa9: {  	[dreg:$0x3] =	wrdreg s4  }
0xaa: {  	[dreg:$0x4] =	wrdreg $0xC0  }
0xab: {  	_ =	task [dreg:s6], $0x5FFFF  }
0xac: {  	[dreg:$0x1] =	wrdreg $0xFFFFFFFF  }
0xad: {  	[dreg:$0x0] =	wrdreg $0x60  }
0xae: {  	[dreg:$0x2] =	wrdreg s24  }
0xaf: {  	[dreg:$0x3] =	wrdreg $0x9  }
0xb0: {  	_ =	task.clear_ibuf [dreg:s6], $0x4FFFF;
	_ =	strace $0x90000049  }
0xb1: {  	s29 =	simm.s32 $0x9;
	_ =	strace $0x8000004B  }
0xb2: {  	_ =	swait.ge [sflag:s29], $0x1  }
0xb3: {  	[sflag:s29] =	ssyncadd.s32 $0xFFFFFFFF  }
0xb4: {  	_ =	strace $0x9000004B  }
0xb5: {  	_ =	sfence  }
0xb6: {  	s30 =	sld [smem:$0x0];
	_ =	sdelay $0x2  }
0xb7: {  	s31 =	sshll.u32 s1, $0xD;
	s1 =	sshrl.u32 s1, $0x2  }
0xb8: {  	s3 =	sand.u32 $0x4000, s31;
	s1 =	sadd.s32 s1, s30  }
0xb9: {  	s0 =	sor.u32 s3, s0;
	s1 =	sshll.u32 s1, $0x11  }
0xba: {  	s0 =	sor.u32 s1, s0  }
0xbb: {  	s0 =	sadd.s32 $0x8F2B, s0  }
0xbc: {  	[sflag:s0] =	ssyncadd.remote.s32 $0x1  }
0xbd: {  	_ =	sfence.sel $0xFFFF  }
0xbe: {  	[dreg:$0x0] =	wrdreg $0xFFFFFFFF;
	(pc) =	sbr.abs _section_cstart, $3  }
0xbf: {  	[dreg:$0x1] =	wrdreg $0xFFFFFFFF  }
0xc0: {  	_ =	task.clear_ibuf [dreg:s6], $0x2FFFF;
	_ =	strace $0x9FFFFFFF  }
0xc1: {  	(tm) =	ssettm $0x7FFFFFFF  }
tec
execute0_lowered:
.L_overlay_start_1:
0x0: {  	(tag) =	ssettag $0x1  }
0x1: {  	s1 =	srdreg.scid  }
0x2: {  	s0 =	stileid.u32;
	s5 =	rddreg [dreg:$0x0];
	s6 =	sand.u32 $0x1, s1  }
0x3: {  	s2 =	simm.s32 $0x0;
	s3 =	sshll.u32 s0, $0x9;
	s4 =	sshll.u32 s6, $0x8  }
0x4: {  	[smem:$0x7FF] =	sst s2;
	s3 =	sor.u32 s4, s3  }
0x5: {  	s1 =	rddreg [dreg:$0x1];
	_ =	strace $0x8000004A;
	s8 =	sadd.s32 s3, s5  }
0x6: {  	s9 =	ssub.s32 $0x2, s6;
	s3 =	simm.s32 $0x2;
	s4 =	sadd.s32 $0x60E200, s8  }
0x7: {  	[tilespmem:s2], [sflag:$0x2] =	stream.linear.gather [hbm4b:s4+s2], $0x800, $0x38;
	[tilespmem:$0x1000] =	vst v63  }
0x8: {  	s7 =	simm.s32 $0x1;
	s10 =	sshrl.u32 s9, $0x1;
	_ =	swait.ge [sflag:s3], $0x800  }
0x9: {  	s6 =	simm.s32 $0x800;
	s9 =	ssub.s32 s9, s10;
	[sflag:s3] =	ssyncset.done $0x0  }
0xa: {  	s5 =	sadd.s32 $0x40E200, s5;
	s9 =	smax.u32 s9, $0x1;
	[sflag:s3] =	ssyncadd.s32 $0xFFFFF800  }
0xb: {  	[tilespmem:s6], [sflag:$0x1] =	stream.indirect.gather [hbm4b:s5+s6], $0x1, s2, s6, $0xb8;
	[tilespmem:$0x1000] =	vst v63  }
0xc: {  	p0 =	sne.s32 s9, $0x1;
	_ =	swait.ge [sflag:s7], $0x800  }
.Ltmp0:
0xd: {  	[sflag:s7] =	ssyncset.done $0x0;
	(pc) =	sbr.rel @!p0 .LBB2_2-.Ltmp0, $4  }
0xe: {  	s8 =	sadd.s32 $0x2200, s8;
	[sflag:s7] =	ssyncadd.s32 $0xFFFFF800  }
0xf: {  	[hbm4b:s8+s2] =	stream.linear.scatter [tilespmem:s6], [sflag:$0x2], $0x800, $0x38;
	[tilespmem:$0x1000] =	vst v63  }
0x10: {  	_ =	swait.ge [sflag:s3], $0x800  }
0x11: {  	s9 =	sadd.s32 $0xFFFFFFFF, s9;
	[sflag:s3] =	ssyncset.done $0x0  }
.LBB2_1:
0x12: {  	p0 =	sne.s32 s9, $0x1;
	s9 =	sadd.s32 $0xFFFFFFFF, s9;
	[sflag:s3] =	ssyncadd.s32 $0xFFFFF800  }
0x13: {  	[tilespmem:s2], [sflag:$0x2] =	stream.linear.gather [hbm4b:s4+s2], $0x800, $0x38;
	[tilespmem:$0x1000] =	vst v63  }
0x14: {  	_ =	swait.ge [sflag:s3], $0x800  }
0x15: {  	[sflag:s3] =	ssyncset.done $0x0  }
0x16: {  	[sflag:s3] =	ssyncadd.s32 $0xFFFFF800  }
0x17: {  	[tilespmem:s6], [sflag:$0x1] =	stream.indirect.gather [hbm4b:s5+s6], $0x1, s2, s6, $0xb8;
	[tilespmem:$0x1000] =	vst v63  }
0x18: {  	_ =	swait.ge [sflag:s7], $0x800  }
.Ltmp1:
0x19: {  	[sflag:s7] =	ssyncset.done $0x0;
	(pc) =	sbr.rel @p0 .LBB2_1-.Ltmp1, $4  }
0x1a: {  	[sflag:s7] =	ssyncadd.s32 $0xFFFFF800  }
0x1b: {  	[hbm4b:s8+s2] =	stream.linear.scatter [tilespmem:s6], [sflag:$0x2], $0x800, $0x38;
	[tilespmem:$0x1000] =	vst v63  }
0x1c: {  	_ =	swait.ge [sflag:s3], $0x800  }
0x1d: {  	[sflag:s3] =	ssyncset.done $0x0  }
.LBB2_2:
0x1e: {  	[sflag:s3] =	ssyncadd.s32 $0xFFFFF800  }
0x1f: {  	_ =	sfence.sel $0x180000  }
0x20: {  	[bflag:$0x0] =	sbarrier.arrive $0xFFFF  }
0x21: {  	p0 =	sne.s32 s0, $0x0;
	_ =	strace $0x9000004A  }
0x22: {  	s0 =	sadd.s32 @!p0 $0x100000, s1;
	[bflag:$0x2] =	sbarrier.arrive $0xFFFF  }
0x23: {  	[sflag:s0] =	ssyncadd.tile.s32 @!p0 $0x1;
	_ =	shalt  }
.Lfunc_end2:
_tile_overlayer_lowered:
.L_overlay_start_2:
0x24: {  	(tag) =	ssettag $0x2  }
0x25: {  	s0 =	rddreg [dreg:$0x0];
	s2 =	stileid.u32  }
0x26: {  	s1 =	rddreg [dreg:$0x1];
	p0 =	sne.s32 s2, $0x0  }
0x27: {  	s3 =	rddreg [dreg:$0x2];
	[bflag:$0x3] =	sbarrier.arrive $0xFFFF;
	s2 =	simm.s32 @!p0 $0x1C02  }
0x28: {  	[timem:s3], [sflag:s2] =	dma.local @!p0 [hbm:s0], s1  }
0x29: {  	s0 =	simm.s32 @!p0 $0x2  }
0x2a: {  	_ =	swait.ge @!p0 [sflag:s0], s1  }
0x2b: {  	s1 =	ssub.s32 @!p0 $0x0, s1;
	[sflag:s0] =	ssyncset.done @!p0 $0x0  }
0x2c: {  	[sflag:s0] =	ssyncadd.s32 @!p0 s1  }
0x2d: {  	[bflag:$0x3] =	sbarrier.arrive $0xFFFF  }
0x2e: {  	_ =	shalt  }

</sc_bundles>
